<compile_context>
chip_gen: v7x
topology: tpu7x:2x2x1
jax: 0.10.2.dev20260603
libtpu: 0.0.44.dev20260713+nightly
codegen_flags: <defaults>
</compile_context>

<pallas_src>
import functools

import jax
import jax.numpy as jnp
from jax import lax
from jax.experimental import pallas as pl
from jax.experimental.pallas import tpu as pltpu
from jax.experimental.pallas import tpu_sc as plsc

NUM_NODES_K = 16384
B_K = 32
E_PER_K = 1024
K_TOP = 200
N_K = B_K * E_PER_K
N_TILES = 16
E_T = N_K // N_TILES
VREGS_T = E_T // 16
SLICE = NUM_NODES_K // N_TILES


def _segmax_gather_body(logit_hbm, idx_hbm, src_hbm,
                        m_edge_hbm, src_edge_hbm,
                        idx_v, val_v, tbl_v, src_tbl_v, m_out_v, s_out_v,
                        acc_v, tmp_v, shared):
    cid = lax.axis_index("c")
    sid = lax.axis_index("s")

    @pl.when(cid == 0)
    def _():
        base = sid * E_T
        pltpu.sync_copy(logit_hbm.at[pl.ds(base, E_T)], val_v)
        pltpu.sync_copy(idx_hbm.at[pl.ds(base, E_T)], idx_v)
        pltpu.sync_copy(src_hbm, src_tbl_v)

        neg_inf = jnp.full((16,), -jnp.inf, jnp.float32)

        def init_body(i, carry):
            tbl_v[pl.ds(i * 16, 16)] = neg_inf
            return carry
        lax.fori_loop(0, NUM_NODES_K // 16, init_body, 0)

        def rmw_body(i, carry):
            idx16 = idx_v[pl.ds(i * 16, 16)]
            v16 = val_v[pl.ds(i * 16, 16)]
            for _ in range(16):
                cur = plsc.load_gather(tbl_v, [idx16])
                upd = jnp.maximum(cur, v16)
                plsc.store_scatter(tbl_v, [idx16], upd, mask=v16 > cur)
            return carry
        lax.fori_loop(0, VREGS_T, rmw_body, 0)

        pltpu.sync_copy(tbl_v, shared.at[sid])
        plsc.subcore_barrier()

        sbase = sid * SLICE
        pltpu.sync_copy(shared.at[0, pl.ds(sbase, SLICE)], acc_v)

        def comb_body(t, carry):
            pltpu.sync_copy(shared.at[t, pl.ds(sbase, SLICE)], tmp_v)

            def max_body(j, c2):
                a = acc_v[pl.ds(j * 16, 16)]
                b = tmp_v[pl.ds(j * 16, 16)]
                acc_v[pl.ds(j * 16, 16)] = jnp.maximum(a, b)
                return c2
            lax.fori_loop(0, SLICE // 16, max_body, 0)
            return carry
        lax.fori_loop(1, N_TILES, comb_body, 0)

        pltpu.sync_copy(acc_v, shared.at[0, pl.ds(sbase, SLICE)])
        plsc.subcore_barrier()
        pltpu.sync_copy(shared.at[0], tbl_v)

        def gather_body(i, carry):
            idx16 = idx_v[pl.ds(i * 16, 16)]
            m_out_v[pl.ds(i * 16, 16)] = plsc.load_gather(tbl_v, [idx16])
            s_out_v[pl.ds(i * 16, 16)] = plsc.load_gather(src_tbl_v, [idx16])
            return carry
        lax.fori_loop(0, VREGS_T, gather_body, 0)

        pltpu.sync_copy(m_out_v, m_edge_hbm.at[pl.ds(base, E_T)])
        pltpu.sync_copy(s_out_v, src_edge_hbm.at[pl.ds(base, E_T)])


def _sc_segmax_gather(logits, idx_i, src_score):
    mesh = plsc.VectorSubcoreMesh(core_axis_name="c", subcore_axis_name="s")
    k = functools.partial(
        pl.kernel,
        out_type=[jax.ShapeDtypeStruct((N_K,), jnp.float32),
                  jax.ShapeDtypeStruct((N_K,), jnp.float32)],
        mesh=mesh,
        scratch_types=[
            pltpu.VMEM((E_T,), jnp.int32),
            pltpu.VMEM((E_T,), jnp.float32),
            pltpu.VMEM((NUM_NODES_K,), jnp.float32),
            pltpu.VMEM((NUM_NODES_K,), jnp.float32),
            pltpu.VMEM((E_T,), jnp.float32),
            pltpu.VMEM((E_T,), jnp.float32),
            pltpu.VMEM((SLICE,), jnp.float32),
            pltpu.VMEM((SLICE,), jnp.float32),
            pltpu.VMEM_SHARED((N_TILES, NUM_NODES_K), jnp.float32),
        ],
        compiler_params=pltpu.CompilerParams(needs_layout_passes=False),
    )(_segmax_gather_body)
    return k(logits, idx_i, src_score)


def _segsum_gather_body(ex_hbm, idx_hbm, s_edge_hbm,
                        idx_v, val_v, tbl_v, out_v, acc_v, tmp_v, shared):
    cid = lax.axis_index("c")
    sid = lax.axis_index("s")

    @pl.when(cid == 0)
    def _():
        base = sid * E_T
        pltpu.sync_copy(ex_hbm.at[pl.ds(base, E_T)], val_v)
        pltpu.sync_copy(idx_hbm.at[pl.ds(base, E_T)], idx_v)

        zero16 = jnp.zeros((16,), jnp.float32)

        def init_body(i, carry):
            tbl_v[pl.ds(i * 16, 16)] = zero16
            return carry
        lax.fori_loop(0, NUM_NODES_K // 16, init_body, 0)

        lane = jax.lax.broadcasted_iota(jnp.int32, (16,), 0)

        def rmw_body(i, carry):
            idx16 = idx_v[pl.ds(i * 16, 16)]
            v16 = val_v[pl.ds(i * 16, 16)]
            for t in range(16):
                m = lane == t
                cur = plsc.load_gather(tbl_v, [idx16])
                plsc.store_scatter(tbl_v, [idx16], cur + v16, mask=m)
            return carry
        lax.fori_loop(0, VREGS_T, rmw_body, 0)

        pltpu.sync_copy(tbl_v, shared.at[sid])
        plsc.subcore_barrier()

        sbase = sid * SLICE
        pltpu.sync_copy(shared.at[0, pl.ds(sbase, SLICE)], acc_v)

        def comb_body(t, carry):
            pltpu.sync_copy(shared.at[t, pl.ds(sbase, SLICE)], tmp_v)

            def add_body(j, c2):
                a = acc_v[pl.ds(j * 16, 16)]
                b = tmp_v[pl.ds(j * 16, 16)]
                acc_v[pl.ds(j * 16, 16)] = a + b
                return c2
            lax.fori_loop(0, SLICE // 16, add_body, 0)
            return carry
        lax.fori_loop(1, N_TILES, comb_body, 0)

        pltpu.sync_copy(acc_v, shared.at[0, pl.ds(sbase, SLICE)])
        plsc.subcore_barrier()
        pltpu.sync_copy(shared.at[0], tbl_v)

        def gather_body(i, carry):
            idx16 = idx_v[pl.ds(i * 16, 16)]
            out_v[pl.ds(i * 16, 16)] = plsc.load_gather(tbl_v, [idx16])
            return carry
        lax.fori_loop(0, VREGS_T, gather_body, 0)

        pltpu.sync_copy(out_v, s_edge_hbm.at[pl.ds(base, E_T)])


def _sc_segsum_gather(ex, idx_i):
    mesh = plsc.VectorSubcoreMesh(core_axis_name="c", subcore_axis_name="s")
    k = functools.partial(
        pl.kernel,
        out_type=jax.ShapeDtypeStruct((N_K,), jnp.float32),
        mesh=mesh,
        scratch_types=[
            pltpu.VMEM((E_T,), jnp.int32),
            pltpu.VMEM((E_T,), jnp.float32),
            pltpu.VMEM((NUM_NODES_K,), jnp.float32),
            pltpu.VMEM((E_T,), jnp.float32),
            pltpu.VMEM((SLICE,), jnp.float32),
            pltpu.VMEM((SLICE,), jnp.float32),
            pltpu.VMEM_SHARED((N_TILES, NUM_NODES_K), jnp.float32),
        ],
        compiler_params=pltpu.CompilerParams(needs_layout_passes=False),
    )(_segsum_gather_body)
    return k(ex, idx_i)


D_K = 128
ROWS_C = 512


def _row_gather_body(vnr_hbm, ii_hbm, ij_hbm, hvi_hbm, hvj_hbm,
                     idx_v, rows_v, sem):
    cid = lax.axis_index("c")
    sid = lax.axis_index("s")
    w = sid * 2 + cid
    base = w * E_PER_K

    for idx_src, out in ((ii_hbm, hvi_hbm), (ij_hbm, hvj_hbm)):
        for c in range(E_PER_K // ROWS_C):
            r0 = base + c * ROWS_C
            pltpu.sync_copy(idx_src.at[pl.ds(r0, ROWS_C)], idx_v)
            pltpu.async_copy(vnr_hbm.at[idx_v], rows_v, sem).wait()
            pltpu.sync_copy(rows_v, out.at[pl.ds(r0, ROWS_C)])


def _sc_row_gather(vnr, idx_i, idx_j):
    mesh = plsc.VectorSubcoreMesh(core_axis_name="c", subcore_axis_name="s")
    k = functools.partial(
        pl.kernel,
        out_type=[jax.ShapeDtypeStruct((N_K, D_K), jnp.float32),
                  jax.ShapeDtypeStruct((N_K, D_K), jnp.float32)],
        mesh=mesh,
        scratch_types=[
            pltpu.VMEM((ROWS_C,), jnp.int32),
            pltpu.VMEM((ROWS_C, D_K), jnp.float32),
            pltpu.SemaphoreType.DMA,
        ],
        compiler_params=pltpu.CompilerParams(needs_layout_passes=False),
    )(_row_gather_body)
    return k(vnr, idx_i, idx_j)


def _topk_kernel(s_ref, tv_ref, oi_ref):
    q = pl.program_id(0)
    s = s_ref[0, 0, :]
    col = jax.lax.broadcasted_iota(jnp.int32, (E_PER_K, E_PER_K), 1)
    row = jax.lax.broadcasted_iota(jnp.int32, (E_PER_K, E_PER_K), 0)
    sj = s[:, None]
    si = s[None, :]
    beats = jnp.logical_or(sj > si, jnp.logical_and(sj == si, row < col))
    rank = jnp.sum(jnp.where(beats, 1, 0).astype(jnp.int32), axis=0)

    p_iota = jax.lax.broadcasted_iota(jnp.int32, (K_TOP, E_PER_K), 0)
    onehot = (rank[None, :] == p_iota)
    tv_ref[0, 0, :] = jnp.sum(jnp.where(onehot, s[None, :], 0.0), axis=1)
    idx = jax.lax.broadcasted_iota(jnp.int32, (K_TOP, E_PER_K), 1)
    topi = jnp.sum(jnp.where(onehot, idx, 0), axis=1)
    oi_ref[0, 0, :] = topi + q * E_PER_K


def _pallas_topk(target_score):
    ts = target_score.reshape(B_K, 1, E_PER_K)
    out_sd = [
        jax.ShapeDtypeStruct((B_K, 1, K_TOP), jnp.float32),
        jax.ShapeDtypeStruct((B_K, 1, K_TOP), jnp.int32),
    ]
    tv, oi = pl.pallas_call(
        _topk_kernel,
        grid=(B_K,),
        in_specs=[pl.BlockSpec((1, 1, E_PER_K), lambda q: (q, 0, 0))],
        out_specs=[pl.BlockSpec((1, 1, K_TOP), lambda q: (q, 0, 0)),
                   pl.BlockSpec((1, 1, K_TOP), lambda q: (q, 0, 0))],
        out_shape=out_sd,
    )(ts)
    return tv.reshape(-1), oi.reshape(-1)


def kernel(visited_node_score, selected_edges, visited_node_representation,
           rel_emb, query_src_ts_emb, query_rel_emb, Wq, Wk, max_edges):
    eg = selected_edges[:, 0]
    idx_i = selected_edges[:, -2]
    idx_j = selected_edges[:, -1]
    hidden_vi, hidden_vj = _sc_row_gather(visited_node_representation,
                                          idx_i, idx_j)
    q_src = query_src_ts_emb[eg]
    q_rel = query_rel_emb[eg]
    left_x = jnp.concatenate([hidden_vi, rel_emb, q_src, q_rel], axis=-1)
    right_x = jnp.concatenate([hidden_vj, rel_emb, q_src, q_rel], axis=-1)
    transition_logits = jnp.sum((left_x @ Wq.T) * (right_x @ Wk.T), axis=-1)

    m_edge, src_edge = _sc_segmax_gather(transition_logits, idx_i,
                                         visited_node_score)
    ex = jnp.exp(transition_logits - m_edge)
    s_edge = _sc_segsum_gather(ex, idx_i)
    sm = ex / (s_edge + 1e-32)
    target_score = sm * src_edge

    pruned_target_score, orig_indices = _pallas_topk(target_score)
    orig_indices = orig_indices + jnp.asarray(max_edges, dtype=orig_indices.dtype) * 0
    pruned_edges = selected_edges[orig_indices]
    return pruned_edges, pruned_target_score, orig_indices

# --- scband reference (transcript-rebuilt; emitter-appended) ---
"""Pipeline reference for scband-x-erte-20993800142940 (READ-ONLY COPY).

The authoritative reference and input builder live on the scoring server;
editing this copy changes nothing except your own understanding.
"""

import jax, jax.numpy as jnp
import numpy as np

NUM_NODES = 16384
B = 32
E_PER = 1024
N = B * E_PER
D = 128


def setup_inputs(seed: int = 0) -> dict:
    key = jax.random.key(seed)
    ks = jax.random.split(key, 14)
    # edges: (eg_idx, vi, ti, vj, tj, rel, node_idx_i, node_idx_j), grouped by eg_idx
    eg_idx = jnp.repeat(jnp.arange(B, dtype=jnp.int32), E_PER)
    vi = jax.random.randint(ks[0], (N,), 0, 7000)
    ti = jax.random.randint(ks[1], (N,), 0, 365)
    vj = jax.random.randint(ks[2], (N,), 0, 7000)
    tj = jax.random.randint(ks[3], (N,), 0, 365)
    rel = jax.random.randint(ks[4], (N,), 0, 230)
    node_idx_i = jax.random.randint(ks[5], (N,), 0, NUM_NODES)
    node_idx_j = jax.random.randint(ks[6], (N,), 0, NUM_NODES)
    selected_edges = jnp.stack([eg_idx, vi, ti, vj, tj, rel, node_idx_i, node_idx_j], axis=1)
    visited_node_score = jax.random.uniform(ks[7], (NUM_NODES,), dtype=jnp.float32)
    visited_node_representation = jax.random.normal(ks[8], (NUM_NODES, D), dtype=jnp.float32)
    rel_emb = jax.random.normal(ks[9], (N, D), dtype=jnp.float32)
    query_src_ts_emb = jax.random.normal(ks[10], (B, D), dtype=jnp.float32)
    query_rel_emb = jax.random.normal(ks[11], (B, D), dtype=jnp.float32)
    # G3 projections: nn.Linear(4*D, 4*D, bias=False), init N(0, sqrt(2/dim_in))
    Wq = jax.random.normal(ks[12], (4 * D, 4 * D), dtype=jnp.float32) * np.sqrt(2.0 / (4 * D))
    Wk = jax.random.normal(ks[13], (4 * D, 4 * D), dtype=jnp.float32) * np.sqrt(2.0 / (4 * D))
    return {
        'visited_node_score': visited_node_score,
        'selected_edges': selected_edges,
        'visited_node_representation': visited_node_representation,
        'rel_emb': rel_emb,
        'query_src_ts_emb': query_src_ts_emb,
        'query_rel_emb': query_rel_emb,
        'Wq': Wq,
        'Wk': Wk,
        'max_edges': 200,
    }


MAX_EDGES_STATIC = 200


def _segment_softmax(logits, seg_ids, num_segments):
    seg_max = jax.ops.segment_max(logits, seg_ids, num_segments=num_segments)
    seg_max = jnp.where(jnp.isfinite(seg_max), seg_max, 0.0)
    ex = jnp.exp(logits - seg_max[seg_ids])
    seg_sum = jax.ops.segment_sum(ex, seg_ids, num_segments=num_segments)
    return ex / (seg_sum[seg_ids] + 1e-32)


def reference(visited_node_score, selected_edges, visited_node_representation,
              rel_emb, query_src_ts_emb, query_rel_emb, Wq, Wk, max_edges):
    eg = selected_edges[:, 0]
    idx_i = selected_edges[:, -2]
    idx_j = selected_edges[:, -1]
    # _cal_attention_score: gather memorized embeddings at edge endpoints
    hidden_vi = visited_node_representation[idx_i]
    hidden_vj = visited_node_representation[idx_j]
    q_src = query_src_ts_emb[eg]
    q_rel = query_rel_emb[eg]
    # G3: sum(query_proj(cat(left)) * key_proj(cat(right)), -1)
    left_x = jnp.concatenate([hidden_vi, rel_emb, q_src, q_rel], axis=-1)
    right_x = jnp.concatenate([hidden_vj, rel_emb, q_src, q_rel], axis=-1)
    transition_logits = jnp.sum((left_x @ Wq.T) * (right_x @ Wk.T), axis=-1)
    # segment_softmax over src node index (edges[:, -2])
    transition_logits_softmax = _segment_softmax(transition_logits, idx_i, NUM_NODES)
    src_score = visited_node_score[idx_i]
    target_score = transition_logits_softmax * src_score
    # _topk_att_score: per-eg_idx top-k (edges are grouped with E_PER edges per query)
    ts = target_score.reshape(B, E_PER)
    topv, topi = jax.lax.top_k(ts, MAX_EDGES_STATIC)
    orig_indices = (topi + jnp.arange(B, dtype=topi.dtype)[:, None] * E_PER).reshape(-1)
    orig_indices = orig_indices + jnp.asarray(max_edges, dtype=orig_indices.dtype) * 0
    pruned_target_score = topv.reshape(-1)
    pruned_edges = selected_edges[orig_indices]
    return pruned_edges, pruned_target_score, orig_indices

if __name__ == "__main__":
    import jax
    _d = setup_inputs()
    print(jax.jit(kernel)(*tuple(_d.values())))

</pallas_src>

<mosaic_0001>
#map = affine_map<(d0, d1) -> (0, 0)>
#map1 = affine_map<(d0, d1) -> (0)>
module attributes {stable_mosaic.version = 14 : i64} {
  func.func @_row_gather_body(%arg0: i32, %arg1: i32, %arg2: memref<16384x128xf32, #tpu.memory_space<hbm>>, %arg3: memref<32768xi32, #tpu.memory_space<hbm>>, %arg4: memref<32768xi32, #tpu.memory_space<hbm>>, %arg5: memref<32768x128xf32, #tpu.memory_space<hbm>>, %arg6: memref<32768x128xf32, #tpu.memory_space<hbm>>, %arg7: memref<512xi32, #tpu.memory_space<vmem>>, %arg8: memref<512x128xf32, #tpu.memory_space<vmem>>, %arg9: memref<!tpu.dma_semaphore, #tpu.memory_space<semaphore_mem>>) attributes {dimension_semantics = [#tpu.dimension_semantics<core_parallel>, #tpu.dimension_semantics<subcore_parallel>], iteration_bounds = array<i64: 2, 16>, scalar_prefetch = 0 : i64, scratch_operands = 3 : i64, tpu.core_type = #tpu.core_type<sc_vector_subcore>, window_params = [{transform_indices = #map}, {transform_indices = #map1}, {transform_indices = #map1}, {transform_indices = #map}, {transform_indices = #map}]} {
    %mul3A = arith.constant 2 : i32
    %mul3A_0 = arith.muli %arg1, %mul3A : i32
    %add3A = arith.addi %mul3A_0, %arg0 : i32
    %mul3A_1 = arith.constant 1024 : i32
    %mul3A_2 = arith.muli %add3A, %mul3A_1 : i32
    %add3A_3 = arith.constant 0 : i32
    %add3A_4 = arith.addi %mul3A_2, %add3A_3 : i32
    "tpu.region"() ({
      %run_scoped3A = tpu.sem_alloc : memref<!tpu.dma_semaphore, #tpu.memory_space<semaphore_mem>>
      %dma_start3A_33 = tpu.memref_slice %arg3[%add3A_4] : memref<32768xi32, #tpu.memory_space<hbm>> -> memref<512xi32, #tpu.memory_space<hbm>>
      %dma_start3A_34 = tpu.memref_slice %arg3[%add3A_4] : memref<32768xi32, #tpu.memory_space<hbm>> -> memref<512xi32, #tpu.memory_space<hbm>>
      tpu.enqueue_dma source(%dma_start3A_34 : memref<512xi32, #tpu.memory_space<hbm>>) target(%arg7 : memref<512xi32, #tpu.memory_space<vmem>>) target_semaphore(%run_scoped3A : memref<!tpu.dma_semaphore, #tpu.memory_space<semaphore_mem>>)
      %dma_wait3A_35 = tpu.memref_slice %arg3[%add3A_4] : memref<32768xi32, #tpu.memory_space<hbm>> -> memref<512xi32, #tpu.memory_space<hbm>>
      %dma_wait3A_36 = tpu.memref_slice %arg3[%add3A_4] : memref<32768xi32, #tpu.memory_space<hbm>> -> memref<512xi32, #tpu.memory_space<hbm>>
      tpu.wait_dma2 semaphore(%run_scoped3A : memref<!tpu.dma_semaphore, #tpu.memory_space<semaphore_mem>>) src(%dma_wait3A_36 : memref<512xi32, #tpu.memory_space<hbm>>) dst(%arg7 : memref<512xi32, #tpu.memory_space<vmem>>)
      tpu.yield
    }) : () -> ()
    %dma_start3A = arith.constant 0 : i32
    %dma_start3A_5 = arith.constant 0 : i32
    %dma_start3A_6 = tpu.memref_slice %arg2[%dma_start3A, %dma_start3A_5] : memref<16384x128xf32, #tpu.memory_space<hbm>> -> memref<16384x128xf32, #tpu.memory_space<hbm>>
    tpu.enqueue_indirect_dma source(%dma_start3A_6 : memref<16384x128xf32, #tpu.memory_space<hbm>>) target(%arg8 : memref<512x128xf32, #tpu.memory_space<vmem>>) offsets(%arg7 : memref<512xi32, #tpu.memory_space<vmem>>) semaphore(%arg9 : memref<!tpu.dma_semaphore, #tpu.memory_space<semaphore_mem>>)
    %dma_wait3A = arith.constant 0 : i32
    %dma_wait3A_7 = arith.constant 0 : i32
    %dma_wait3A_8 = tpu.memref_slice %arg2[%dma_wait3A, %dma_wait3A_7] : memref<16384x128xf32, #tpu.memory_space<hbm>> -> memref<16384x128xf32, #tpu.memory_space<hbm>>
    tpu.wait_indirect_dma semaphore(%arg9 : memref<!tpu.dma_semaphore, #tpu.memory_space<semaphore_mem>>) src(%dma_wait3A_8 : memref<16384x128xf32, #tpu.memory_space<hbm>>) dst(%arg8 : memref<512x128xf32, #tpu.memory_space<vmem>>)
    "tpu.region"() ({
      %run_scoped3A = tpu.sem_alloc : memref<!tpu.dma_semaphore, #tpu.memory_space<semaphore_mem>>
      %dma_start3A_33 = arith.constant 0 : i32
      %dma_start3A_34 = tpu.memref_slice %arg5[%add3A_4, %dma_start3A_33] : memref<32768x128xf32, #tpu.memory_space<hbm>> -> memref<512x128xf32, #tpu.memory_space<hbm>>
      %dma_start3A_35 = arith.constant 0 : i32
      %dma_start3A_36 = tpu.memref_slice %arg5[%add3A_4, %dma_start3A_35] : memref<32768x128xf32, #tpu.memory_space<hbm>> -> memref<512x128xf32, #tpu.memory_space<hbm>>
      tpu.enqueue_dma source(%arg8 : memref<512x128xf32, #tpu.memory_space<vmem>>) target(%dma_start3A_36 : memref<512x128xf32, #tpu.memory_space<hbm>>) target_semaphore(%run_scoped3A : memref<!tpu.dma_semaphore, #tpu.memory_space<semaphore_mem>>)
      %dma_wait3A_37 = arith.constant 0 : i32
      %dma_wait3A_38 = tpu.memref_slice %arg5[%add3A_4, %dma_wait3A_37] : memref<32768x128xf32, #tpu.memory_space<hbm>> -> memref<512x128xf32, #tpu.memory_space<hbm>>
      %dma_wait3A_39 = arith.constant 0 : i32
      %dma_wait3A_40 = tpu.memref_slice %arg5[%add3A_4, %dma_wait3A_39] : memref<32768x128xf32, #tpu.memory_space<hbm>> -> memref<512x128xf32, #tpu.memory_space<hbm>>
      tpu.wait_dma2 semaphore(%run_scoped3A : memref<!tpu.dma_semaphore, #tpu.memory_space<semaphore_mem>>) src(%arg8 : memref<512x128xf32, #tpu.memory_space<vmem>>) dst(%dma_wait3A_40 : memref<512x128xf32, #tpu.memory_space<hbm>>)
      tpu.yield
    }) : () -> ()
    %add3A_9 = arith.constant 512 : i32
    %add3A_10 = arith.addi %mul3A_2, %add3A_9 : i32
    "tpu.region"() ({
      %run_scoped3A = tpu.sem_alloc : memref<!tpu.dma_semaphore, #tpu.memory_space<semaphore_mem>>
      %dma_start3A_33 = tpu.memref_slice %arg3[%add3A_10] : memref<32768xi32, #tpu.memory_space<hbm>> -> memref<512xi32, #tpu.memory_space<hbm>>
      %dma_start3A_34 = tpu.memref_slice %arg3[%add3A_10] : memref<32768xi32, #tpu.memory_space<hbm>> -> memref<512xi32, #tpu.memory_space<hbm>>
      tpu.enqueue_dma source(%dma_start3A_34 : memref<512xi32, #tpu.memory_space<hbm>>) target(%arg7 : memref<512xi32, #tpu.memory_space<vmem>>) target_semaphore(%run_scoped3A : memref<!tpu.dma_semaphore, #tpu.memory_space<semaphore_mem>>)
      %dma_wait3A_35 = tpu.memref_slice %arg3[%add3A_10] : memref<32768xi32, #tpu.memory_space<hbm>> -> memref<512xi32, #tpu.memory_space<hbm>>
      %dma_wait3A_36 = tpu.memref_slice %arg3[%add3A_10] : memref<32768xi32, #tpu.memory_space<hbm>> -> memref<512xi32, #tpu.memory_space<hbm>>
      tpu.wait_dma2 semaphore(%run_scoped3A : memref<!tpu.dma_semaphore, #tpu.memory_space<semaphore_mem>>) src(%dma_wait3A_36 : memref<512xi32, #tpu.memory_space<hbm>>) dst(%arg7 : memref<512xi32, #tpu.memory_space<vmem>>)
      tpu.yield
    }) : () -> ()
    %dma_start3A_11 = arith.constant 0 : i32
    %dma_start3A_12 = arith.constant 0 : i32
    %dma_start3A_13 = tpu.memref_slice %arg2[%dma_start3A_11, %dma_start3A_12] : memref<16384x128xf32, #tpu.memory_space<hbm>> -> memref<16384x128xf32, #tpu.memory_space<hbm>>
    tpu.enqueue_indirect_dma source(%dma_start3A_13 : memref<16384x128xf32, #tpu.memory_space<hbm>>) target(%arg8 : memref<512x128xf32, #tpu.memory_space<vmem>>) offsets(%arg7 : memref<512xi32, #tpu.memory_space<vmem>>) semaphore(%arg9 : memref<!tpu.dma_semaphore, #tpu.memory_space<semaphore_mem>>)
    %dma_wait3A_14 = arith.constant 0 : i32
    %dma_wait3A_15 = arith.constant 0 : i32
    %dma_wait3A_16 = tpu.memref_slice %arg2[%dma_wait3A_14, %dma_wait3A_15] : memref<16384x128xf32, #tpu.memory_space<hbm>> -> memref<16384x128xf32, #tpu.memory_space<hbm>>
    tpu.wait_indirect_dma semaphore(%arg9 : memref<!tpu.dma_semaphore, #tpu.memory_space<semaphore_mem>>) src(%dma_wait3A_16 : memref<16384x128xf32, #tpu.memory_space<hbm>>) dst(%arg8 : memref<512x128xf32, #tpu.memory_space<vmem>>)
    "tpu.region"() ({
      %run_scoped3A = tpu.sem_alloc : memref<!tpu.dma_semaphore, #tpu.memory_space<semaphore_mem>>
      %dma_start3A_33 = arith.constant 0 : i32
      %dma_start3A_34 = tpu.memref_slice %arg5[%add3A_10, %dma_start3A_33] : memref<32768x128xf32, #tpu.memory_space<hbm>> -> memref<512x128xf32, #tpu.memory_space<hbm>>
      %dma_start3A_35 = arith.constant 0 : i32
      %dma_start3A_36 = tpu.memref_slice %arg5[%add3A_10, %dma_start3A_35] : memref<32768x128xf32, #tpu.memory_space<hbm>> -> memref<512x128xf32, #tpu.memory_space<hbm>>
      tpu.enqueue_dma source(%arg8 : memref<512x128xf32, #tpu.memory_space<vmem>>) target(%dma_start3A_36 : memref<512x128xf32, #tpu.memory_space<hbm>>) target_semaphore(%run_scoped3A : memref<!tpu.dma_semaphore, #tpu.memory_space<semaphore_mem>>)
      %dma_wait3A_37 = arith.constant 0 : i32
      %dma_wait3A_38 = tpu.memref_slice %arg5[%add3A_10, %dma_wait3A_37] : memref<32768x128xf32, #tpu.memory_space<hbm>> -> memref<512x128xf32, #tpu.memory_space<hbm>>
      %dma_wait3A_39 = arith.constant 0 : i32
      %dma_wait3A_40 = tpu.memref_slice %arg5[%add3A_10, %dma_wait3A_39] : memref<32768x128xf32, #tpu.memory_space<hbm>> -> memref<512x128xf32, #tpu.memory_space<hbm>>
      tpu.wait_dma2 semaphore(%run_scoped3A : memref<!tpu.dma_semaphore, #tpu.memory_space<semaphore_mem>>) src(%arg8 : memref<512x128xf32, #tpu.memory_space<vmem>>) dst(%dma_wait3A_40 : memref<512x128xf32, #tpu.memory_space<hbm>>)
      tpu.yield
    }) : () -> ()
    %add3A_17 = arith.constant 0 : i32
    %add3A_18 = arith.addi %mul3A_2, %add3A_17 : i32
    "tpu.region"() ({
      %run_scoped3A = tpu.sem_alloc : memref<!tpu.dma_semaphore, #tpu.memory_space<semaphore_mem>>
      %dma_start3A_33 = tpu.memref_slice %arg4[%add3A_18] : memref<32768xi32, #tpu.memory_space<hbm>> -> memref<512xi32, #tpu.memory_space<hbm>>
      %dma_start3A_34 = tpu.memref_slice %arg4[%add3A_18] : memref<32768xi32, #tpu.memory_space<hbm>> -> memref<512xi32, #tpu.memory_space<hbm>>
      tpu.enqueue_dma source(%dma_start3A_34 : memref<512xi32, #tpu.memory_space<hbm>>) target(%arg7 : memref<512xi32, #tpu.memory_space<vmem>>) target_semaphore(%run_scoped3A : memref<!tpu.dma_semaphore, #tpu.memory_space<semaphore_mem>>)
      %dma_wait3A_35 = tpu.memref_slice %arg4[%add3A_18] : memref<32768xi32, #tpu.memory_space<hbm>> -> memref<512xi32, #tpu.memory_space<hbm>>
      %dma_wait3A_36 = tpu.memref_slice %arg4[%add3A_18] : memref<32768xi32, #tpu.memory_space<hbm>> -> memref<512xi32, #tpu.memory_space<hbm>>
      tpu.wait_dma2 semaphore(%run_scoped3A : memref<!tpu.dma_semaphore, #tpu.memory_space<semaphore_mem>>) src(%dma_wait3A_36 : memref<512xi32, #tpu.memory_space<hbm>>) dst(%arg7 : memref<512xi32, #tpu.memory_space<vmem>>)
      tpu.yield
    }) : () -> ()
    %dma_start3A_19 = arith.constant 0 : i32
    %dma_start3A_20 = arith.constant 0 : i32
    %dma_start3A_21 = tpu.memref_slice %arg2[%dma_start3A_19, %dma_start3A_20] : memref<16384x128xf32, #tpu.memory_space<hbm>> -> memref<16384x128xf32, #tpu.memory_space<hbm>>
    tpu.enqueue_indirect_dma source(%dma_start3A_21 : memref<16384x128xf32, #tpu.memory_space<hbm>>) target(%arg8 : memref<512x128xf32, #tpu.memory_space<vmem>>) offsets(%arg7 : memref<512xi32, #tpu.memory_space<vmem>>) semaphore(%arg9 : memref<!tpu.dma_semaphore, #tpu.memory_space<semaphore_mem>>)
    %dma_wait3A_22 = arith.constant 0 : i32
    %dma_wait3A_23 = arith.constant 0 : i32
    %dma_wait3A_24 = tpu.memref_slice %arg2[%dma_wait3A_22, %dma_wait3A_23] : memref<16384x128xf32, #tpu.memory_space<hbm>> -> memref<16384x128xf32, #tpu.memory_space<hbm>>
    tpu.wait_indirect_dma semaphore(%arg9 : memref<!tpu.dma_semaphore, #tpu.memory_space<semaphore_mem>>) src(%dma_wait3A_24 : memref<16384x128xf32, #tpu.memory_space<hbm>>) dst(%arg8 : memref<512x128xf32, #tpu.memory_space<vmem>>)
    "tpu.region"() ({
      %run_scoped3A = tpu.sem_alloc : memref<!tpu.dma_semaphore, #tpu.memory_space<semaphore_mem>>
      %dma_start3A_33 = arith.constant 0 : i32
      %dma_start3A_34 = tpu.memref_slice %arg6[%add3A_18, %dma_start3A_33] : memref<32768x128xf32, #tpu.memory_space<hbm>> -> memref<512x128xf32, #tpu.memory_space<hbm>>
      %dma_start3A_35 = arith.constant 0 : i32
      %dma_start3A_36 = tpu.memref_slice %arg6[%add3A_18, %dma_start3A_35] : memref<32768x128xf32, #tpu.memory_space<hbm>> -> memref<512x128xf32, #tpu.memory_space<hbm>>
      tpu.enqueue_dma source(%arg8 : memref<512x128xf32, #tpu.memory_space<vmem>>) target(%dma_start3A_36 : memref<512x128xf32, #tpu.memory_space<hbm>>) target_semaphore(%run_scoped3A : memref<!tpu.dma_semaphore, #tpu.memory_space<semaphore_mem>>)
      %dma_wait3A_37 = arith.constant 0 : i32
      %dma_wait3A_38 = tpu.memref_slice %arg6[%add3A_18, %dma_wait3A_37] : memref<32768x128xf32, #tpu.memory_space<hbm>> -> memref<512x128xf32, #tpu.memory_space<hbm>>
      %dma_wait3A_39 = arith.constant 0 : i32
      %dma_wait3A_40 = tpu.memref_slice %arg6[%add3A_18, %dma_wait3A_39] : memref<32768x128xf32, #tpu.memory_space<hbm>> -> memref<512x128xf32, #tpu.memory_space<hbm>>
      tpu.wait_dma2 semaphore(%run_scoped3A : memref<!tpu.dma_semaphore, #tpu.memory_space<semaphore_mem>>) src(%arg8 : memref<512x128xf32, #tpu.memory_space<vmem>>) dst(%dma_wait3A_40 : memref<512x128xf32, #tpu.memory_space<hbm>>)
      tpu.yield
    }) : () -> ()
    %add3A_25 = arith.constant 512 : i32
    %add3A_26 = arith.addi %mul3A_2, %add3A_25 : i32
    "tpu.region"() ({
      %run_scoped3A = tpu.sem_alloc : memref<!tpu.dma_semaphore, #tpu.memory_space<semaphore_mem>>
      %dma_start3A_33 = tpu.memref_slice %arg4[%add3A_26] : memref<32768xi32, #tpu.memory_space<hbm>> -> memref<512xi32, #tpu.memory_space<hbm>>
      %dma_start3A_34 = tpu.memref_slice %arg4[%add3A_26] : memref<32768xi32, #tpu.memory_space<hbm>> -> memref<512xi32, #tpu.memory_space<hbm>>
      tpu.enqueue_dma source(%dma_start3A_34 : memref<512xi32, #tpu.memory_space<hbm>>) target(%arg7 : memref<512xi32, #tpu.memory_space<vmem>>) target_semaphore(%run_scoped3A : memref<!tpu.dma_semaphore, #tpu.memory_space<semaphore_mem>>)
      %dma_wait3A_35 = tpu.memref_slice %arg4[%add3A_26] : memref<32768xi32, #tpu.memory_space<hbm>> -> memref<512xi32, #tpu.memory_space<hbm>>
      %dma_wait3A_36 = tpu.memref_slice %arg4[%add3A_26] : memref<32768xi32, #tpu.memory_space<hbm>> -> memref<512xi32, #tpu.memory_space<hbm>>
      tpu.wait_dma2 semaphore(%run_scoped3A : memref<!tpu.dma_semaphore, #tpu.memory_space<semaphore_mem>>) src(%dma_wait3A_36 : memref<512xi32, #tpu.memory_space<hbm>>) dst(%arg7 : memref<512xi32, #tpu.memory_space<vmem>>)
      tpu.yield
    }) : () -> ()
    %dma_start3A_27 = arith.constant 0 : i32
    %dma_start3A_28 = arith.constant 0 : i32
    %dma_start3A_29 = tpu.memref_slice %arg2[%dma_start3A_27, %dma_start3A_28] : memref<16384x128xf32, #tpu.memory_space<hbm>> -> memref<16384x128xf32, #tpu.memory_space<hbm>>
    tpu.enqueue_indirect_dma source(%dma_start3A_29 : memref<16384x128xf32, #tpu.memory_space<hbm>>) target(%arg8 : memref<512x128xf32, #tpu.memory_space<vmem>>) offsets(%arg7 : memref<512xi32, #tpu.memory_space<vmem>>) semaphore(%arg9 : memref<!tpu.dma_semaphore, #tpu.memory_space<semaphore_mem>>)
    %dma_wait3A_30 = arith.constant 0 : i32
    %dma_wait3A_31 = arith.constant 0 : i32
    %dma_wait3A_32 = tpu.memref_slice %arg2[%dma_wait3A_30, %dma_wait3A_31] : memref<16384x128xf32, #tpu.memory_space<hbm>> -> memref<16384x128xf32, #tpu.memory_space<hbm>>
    tpu.wait_indirect_dma semaphore(%arg9 : memref<!tpu.dma_semaphore, #tpu.memory_space<semaphore_mem>>) src(%dma_wait3A_32 : memref<16384x128xf32, #tpu.memory_space<hbm>>) dst(%arg8 : memref<512x128xf32, #tpu.memory_space<vmem>>)
    "tpu.region"() ({
      %run_scoped3A = tpu.sem_alloc : memref<!tpu.dma_semaphore, #tpu.memory_space<semaphore_mem>>
      %dma_start3A_33 = arith.constant 0 : i32
      %dma_start3A_34 = tpu.memref_slice %arg6[%add3A_26, %dma_start3A_33] : memref<32768x128xf32, #tpu.memory_space<hbm>> -> memref<512x128xf32, #tpu.memory_space<hbm>>
      %dma_start3A_35 = arith.constant 0 : i32
      %dma_start3A_36 = tpu.memref_slice %arg6[%add3A_26, %dma_start3A_35] : memref<32768x128xf32, #tpu.memory_space<hbm>> -> memref<512x128xf32, #tpu.memory_space<hbm>>
      tpu.enqueue_dma source(%arg8 : memref<512x128xf32, #tpu.memory_space<vmem>>) target(%dma_start3A_36 : memref<512x128xf32, #tpu.memory_space<hbm>>) target_semaphore(%run_scoped3A : memref<!tpu.dma_semaphore, #tpu.memory_space<semaphore_mem>>)
      %dma_wait3A_37 = arith.constant 0 : i32
      %dma_wait3A_38 = tpu.memref_slice %arg6[%add3A_26, %dma_wait3A_37] : memref<32768x128xf32, #tpu.memory_space<hbm>> -> memref<512x128xf32, #tpu.memory_space<hbm>>
      %dma_wait3A_39 = arith.constant 0 : i32
      %dma_wait3A_40 = tpu.memref_slice %arg6[%add3A_26, %dma_wait3A_39] : memref<32768x128xf32, #tpu.memory_space<hbm>> -> memref<512x128xf32, #tpu.memory_space<hbm>>
      tpu.wait_dma2 semaphore(%run_scoped3A : memref<!tpu.dma_semaphore, #tpu.memory_space<semaphore_mem>>) src(%arg8 : memref<512x128xf32, #tpu.memory_space<vmem>>) dst(%dma_wait3A_40 : memref<512x128xf32, #tpu.memory_space<hbm>>)
      tpu.yield
    }) : () -> ()
    return
  }
}

#map = affine_map<(d0, d1) -> (0)>
module attributes {stable_mosaic.version = 14 : i64} {
  func.func @_segsum_gather_body(%arg0: i32, %arg1: i32, %arg2: memref<32768xf32, #tpu.memory_space<hbm>>, %arg3: memref<32768xi32, #tpu.memory_space<hbm>>, %arg4: memref<32768xf32, #tpu.memory_space<hbm>>, %arg5: memref<2048xi32, #tpu.memory_space<vmem>>, %arg6: memref<2048xf32, #tpu.memory_space<vmem>>, %arg7: memref<16384xf32, #tpu.memory_space<vmem>>, %arg8: memref<2048xf32, #tpu.memory_space<vmem>>, %arg9: memref<1024xf32, #tpu.memory_space<vmem>>, %arg10: memref<1024xf32, #tpu.memory_space<vmem>>, %arg11: memref<16x16384xf32, #tpu.memory_space<vmem_shared>>) attributes {dimension_semantics = [#tpu.dimension_semantics<core_parallel>, #tpu.dimension_semantics<subcore_parallel>], iteration_bounds = array<i64: 2, 16>, scalar_prefetch = 0 : i64, scratch_operands = 7 : i64, tpu.core_type = #tpu.core_type<sc_vector_subcore>, window_params = [{transform_indices = #map}, {transform_indices = #map}, {transform_indices = #map}]} {
    %eq3A = arith.constant 0 : i32
    %eq3A_0 = arith.cmpi eq, %arg0, %eq3A : i32
    %convert_element_type3A = arith.extui %eq3A_0 : i1 to i32
    %cond3A = arith.constant 0 : i32
    %cond3A_1 = arith.cmpi ne, %convert_element_type3A, %cond3A : i32
    scf.if %cond3A_1 {
      %mul3A = arith.constant 2048 : i32
      %mul3A_2 = arith.muli %arg1, %mul3A : i32
      "tpu.region"() ({
        %run_scoped3A_32 = tpu.sem_alloc : memref<!tpu.dma_semaphore, #tpu.memory_space<semaphore_mem>>
        %dma_start3A = tpu.memref_slice %arg2[%mul3A_2] : memref<32768xf32, #tpu.memory_space<hbm>> -> memref<2048xf32, #tpu.memory_space<hbm>>
        %dma_start3A_33 = tpu.memref_slice %arg2[%mul3A_2] : memref<32768xf32, #tpu.memory_space<hbm>> -> memref<2048xf32, #tpu.memory_space<hbm>>
        tpu.enqueue_dma source(%dma_start3A_33 : memref<2048xf32, #tpu.memory_space<hbm>>) target(%arg6 : memref<2048xf32, #tpu.memory_space<vmem>>) target_semaphore(%run_scoped3A_32 : memref<!tpu.dma_semaphore, #tpu.memory_space<semaphore_mem>>)
        %dma_wait3A = tpu.memref_slice %arg2[%mul3A_2] : memref<32768xf32, #tpu.memory_space<hbm>> -> memref<2048xf32, #tpu.memory_space<hbm>>
        %dma_wait3A_34 = tpu.memref_slice %arg2[%mul3A_2] : memref<32768xf32, #tpu.memory_space<hbm>> -> memref<2048xf32, #tpu.memory_space<hbm>>
        tpu.wait_dma2 semaphore(%run_scoped3A_32 : memref<!tpu.dma_semaphore, #tpu.memory_space<semaphore_mem>>) src(%dma_wait3A_34 : memref<2048xf32, #tpu.memory_space<hbm>>) dst(%arg6 : memref<2048xf32, #tpu.memory_space<vmem>>)
        tpu.yield
      }) : () -> ()
      "tpu.region"() ({
        %run_scoped3A_32 = tpu.sem_alloc : memref<!tpu.dma_semaphore, #tpu.memory_space<semaphore_mem>>
        %dma_start3A = tpu.memref_slice %arg3[%mul3A_2] : memref<32768xi32, #tpu.memory_space<hbm>> -> memref<2048xi32, #tpu.memory_space<hbm>>
        %dma_start3A_33 = tpu.memref_slice %arg3[%mul3A_2] : memref<32768xi32, #tpu.memory_space<hbm>> -> memref<2048xi32, #tpu.memory_space<hbm>>
        tpu.enqueue_dma source(%dma_start3A_33 : memref<2048xi32, #tpu.memory_space<hbm>>) target(%arg5 : memref<2048xi32, #tpu.memory_space<vmem>>) target_semaphore(%run_scoped3A_32 : memref<!tpu.dma_semaphore, #tpu.memory_space<semaphore_mem>>)
        %dma_wait3A = tpu.memref_slice %arg3[%mul3A_2] : memref<32768xi32, #tpu.memory_space<hbm>> -> memref<2048xi32, #tpu.memory_space<hbm>>
        %dma_wait3A_34 = tpu.memref_slice %arg3[%mul3A_2] : memref<32768xi32, #tpu.memory_space<hbm>> -> memref<2048xi32, #tpu.memory_space<hbm>>
        tpu.wait_dma2 semaphore(%run_scoped3A_32 : memref<!tpu.dma_semaphore, #tpu.memory_space<semaphore_mem>>) src(%dma_wait3A_34 : memref<2048xi32, #tpu.memory_space<hbm>>) dst(%arg5 : memref<2048xi32, #tpu.memory_space<vmem>>)
        tpu.yield
      }) : () -> ()
      %broadcast_in_dim3A = arith.constant 0.000000e+00 : f32
      %broadcast_in_dim3A_3 = vector.broadcast %broadcast_in_dim3A : f32 to vector<16xf32>
      %scan3A = arith.constant 0 : i32
      %scan3A_4 = arith.constant 0 : i32
      %scan3A_5 = arith.constant 1024 : i32
      %scan3A_6 = arith.addi %scan3A_4, %scan3A_5 : i32
      %scan3A_7 = arith.constant 1 : i32
      scf.for %scan3A_32 = %scan3A_4 to %scan3A_6 step %scan3A_7  : i32 {
        %mul3A_33 = arith.constant 16 : i32
        %mul3A_34 = arith.muli %scan3A_32, %mul3A_33 : i32
        %swap3A = arith.index_cast %mul3A_34 : i32 to index
        %swap3A_35 = tpu.vector_load %arg7[%swap3A] {strides = array<i32>} : memref<16384xf32, #tpu.memory_space<vmem>>, vector<16xf32>,
        tpu.vector_store %arg7[%swap3A], %broadcast_in_dim3A_3 {strides = array<i32>} : memref<16384xf32, #tpu.memory_space<vmem>>, vector<16xf32>,
      }
      %scan3A_8 = arith.constant 1024 : i32
      %iota3A = tpu.iota {dimensions = array<i32: 0>} : vector<16xi32>
      %scan3A_9 = arith.constant 0 : i32
      %scan3A_10 = arith.constant 0 : i32
      %scan3A_11 = arith.constant 128 : i32
      %scan3A_12 = arith.addi %scan3A_10, %scan3A_11 : i32
      %scan3A_13 = arith.constant 1 : i32
      scf.for %scan3A_32 = %scan3A_10 to %scan3A_12 step %scan3A_13  : i32 {
        %mul3A_33 = arith.constant 16 : i32
        %mul3A_34 = arith.muli %scan3A_32, %mul3A_33 : i32
        %get3A = arith.index_cast %mul3A_34 : i32 to index
        %get3A_35 = tpu.vector_load %arg5[%get3A] {strides = array<i32>} : memref<2048xi32, #tpu.memory_space<vmem>>, vector<16xi32>,
        %mul3A_36 = arith.constant 16 : i32
        %mul3A_37 = arith.muli %scan3A_32, %mul3A_36 : i32
        %get3A_38 = arith.index_cast %mul3A_37 : i32 to index
        %get3A_39 = tpu.vector_load %arg6[%get3A_38] {strides = array<i32>} : memref<2048xf32, #tpu.memory_space<vmem>>, vector<16xf32>,
        %eq3A_40 = arith.constant 0 : i32
        %eq3A_41 = vector.broadcast %eq3A_40 : i32 to vector<16xi32>
        %eq3A_42 = arith.cmpi eq, %iota3A, %eq3A_41 : vector<16xi32>
        %gather3A = tpu.vector_load_idx %arg7[%get3A_35] : memref<16384xf32, #tpu.memory_space<vmem>>[vector<16xi32>], vector<16xf32>,
        %add3A = arith.addf %gather3A, %get3A_39 : vector<16xf32>
        tpu.vector_store_idx %arg7[%get3A_35], %add3A masked %eq3A_42 : memref<16384xf32, #tpu.memory_space<vmem>>[vector<16xi32>], vector<16xf32>, vector<16xi1>
        %eq3A_43 = arith.constant 1 : i32
        %eq3A_44 = vector.broadcast %eq3A_43 : i32 to vector<16xi32>
        %eq3A_45 = arith.cmpi eq, %iota3A, %eq3A_44 : vector<16xi32>
        %gather3A_46 = tpu.vector_load_idx %arg7[%get3A_35] : memref<16384xf32, #tpu.memory_space<vmem>>[vector<16xi32>], vector<16xf32>,
        %add3A_47 = arith.addf %gather3A_46, %get3A_39 : vector<16xf32>
        tpu.vector_store_idx %arg7[%get3A_35], %add3A_47 masked %eq3A_45 : memref<16384xf32, #tpu.memory_space<vmem>>[vector<16xi32>], vector<16xf32>, vector<16xi1>
        %eq3A_48 = arith.constant 2 : i32
        %eq3A_49 = vector.broadcast %eq3A_48 : i32 to vector<16xi32>
        %eq3A_50 = arith.cmpi eq, %iota3A, %eq3A_49 : vector<16xi32>
        %gather3A_51 = tpu.vector_load_idx %arg7[%get3A_35] : memref<16384xf32, #tpu.memory_space<vmem>>[vector<16xi32>], vector<16xf32>,
        %add3A_52 = arith.addf %gather3A_51, %get3A_39 : vector<16xf32>
        tpu.vector_store_idx %arg7[%get3A_35], %add3A_52 masked %eq3A_50 : memref<16384xf32, #tpu.memory_space<vmem>>[vector<16xi32>], vector<16xf32>, vector<16xi1>
        %eq3A_53 = arith.constant 3 : i32
        %eq3A_54 = vector.broadcast %eq3A_53 : i32 to vector<16xi32>
        %eq3A_55 = arith.cmpi eq, %iota3A, %eq3A_54 : vector<16xi32>
        %gather3A_56 = tpu.vector_load_idx %arg7[%get3A_35] : memref<16384xf32, #tpu.memory_space<vmem>>[vector<16xi32>], vector<16xf32>,
        %add3A_57 = arith.addf %gather3A_56, %get3A_39 : vector<16xf32>
        tpu.vector_store_idx %arg7[%get3A_35], %add3A_57 masked %eq3A_55 : memref<16384xf32, #tpu.memory_space<vmem>>[vector<16xi32>], vector<16xf32>, vector<16xi1>
        %eq3A_58 = arith.constant 4 : i32
        %eq3A_59 = vector.broadcast %eq3A_58 : i32 to vector<16xi32>
        %eq3A_60 = arith.cmpi eq, %iota3A, %eq3A_59 : vector<16xi32>
        %gather3A_61 = tpu.vector_load_idx %arg7[%get3A_35] : memref<16384xf32, #tpu.memory_space<vmem>>[vector<16xi32>], vector<16xf32>,
        %add3A_62 = arith.addf %gather3A_61, %get3A_39 : vector<16xf32>
        tpu.vector_store_idx %arg7[%get3A_35], %add3A_62 masked %eq3A_60 : memref<16384xf32, #tpu.memory_space<vmem>>[vector<16xi32>], vector<16xf32>, vector<16xi1>
        %eq3A_63 = arith.constant 5 : i32
        %eq3A_64 = vector.broadcast %eq3A_63 : i32 to vector<16xi32>
        %eq3A_65 = arith.cmpi eq, %iota3A, %eq3A_64 : vector<16xi32>
        %gather3A_66 = tpu.vector_load_idx %arg7[%get3A_35] : memref<16384xf32, #tpu.memory_space<vmem>>[vector<16xi32>], vector<16xf32>,
        %add3A_67 = arith.addf %gather3A_66, %get3A_39 : vector<16xf32>
        tpu.vector_store_idx %arg7[%get3A_35], %add3A_67 masked %eq3A_65 : memref<16384xf32, #tpu.memory_space<vmem>>[vector<16xi32>], vector<16xf32>, vector<16xi1>
        %eq3A_68 = arith.constant 6 : i32
        %eq3A_69 = vector.broadcast %eq3A_68 : i32 to vector<16xi32>
        %eq3A_70 = arith.cmpi eq, %iota3A, %eq3A_69 : vector<16xi32>
        %gather3A_71 = tpu.vector_load_idx %arg7[%get3A_35] : memref<16384xf32, #tpu.memory_space<vmem>>[vector<16xi32>], vector<16xf32>,
        %add3A_72 = arith.addf %gather3A_71, %get3A_39 : vector<16xf32>
        tpu.vector_store_idx %arg7[%get3A_35], %add3A_72 masked %eq3A_70 : memref<16384xf32, #tpu.memory_space<vmem>>[vector<16xi32>], vector<16xf32>, vector<16xi1>
        %eq3A_73 = arith.constant 7 : i32
        %eq3A_74 = vector.broadcast %eq3A_73 : i32 to vector<16xi32>
        %eq3A_75 = arith.cmpi eq, %iota3A, %eq3A_74 : vector<16xi32>
        %gather3A_76 = tpu.vector_load_idx %arg7[%get3A_35] : memref<16384xf32, #tpu.memory_space<vmem>>[vector<16xi32>], vector<16xf32>,
        %add3A_77 = arith.addf %gather3A_76, %get3A_39 : vector<16xf32>
        tpu.vector_store_idx %arg7[%get3A_35], %add3A_77 masked %eq3A_75 : memref<16384xf32, #tpu.memory_space<vmem>>[vector<16xi32>], vector<16xf32>, vector<16xi1>
        %eq3A_78 = arith.constant 8 : i32
        %eq3A_79 = vector.broadcast %eq3A_78 : i32 to vector<16xi32>
        %eq3A_80 = arith.cmpi eq, %iota3A, %eq3A_79 : vector<16xi32>
        %gather3A_81 = tpu.vector_load_idx %arg7[%get3A_35] : memref<16384xf32, #tpu.memory_space<vmem>>[vector<16xi32>], vector<16xf32>,
        %add3A_82 = arith.addf %gather3A_81, %get3A_39 : vector<16xf32>
        tpu.vector_store_idx %arg7[%get3A_35], %add3A_82 masked %eq3A_80 : memref<16384xf32, #tpu.memory_space<vmem>>[vector<16xi32>], vector<16xf32>, vector<16xi1>
        %eq3A_83 = arith.constant 9 : i32
        %eq3A_84 = vector.broadcast %eq3A_83 : i32 to vector<16xi32>
        %eq3A_85 = arith.cmpi eq, %iota3A, %eq3A_84 : vector<16xi32>
        %gather3A_86 = tpu.vector_load_idx %arg7[%get3A_35] : memref<16384xf32, #tpu.memory_space<vmem>>[vector<16xi32>], vector<16xf32>,
        %add3A_87 = arith.addf %gather3A_86, %get3A_39 : vector<16xf32>
        tpu.vector_store_idx %arg7[%get3A_35], %add3A_87 masked %eq3A_85 : memref<16384xf32, #tpu.memory_space<vmem>>[vector<16xi32>], vector<16xf32>, vector<16xi1>
        %eq3A_88 = arith.constant 10 : i32
        %eq3A_89 = vector.broadcast %eq3A_88 : i32 to vector<16xi32>
        %eq3A_90 = arith.cmpi eq, %iota3A, %eq3A_89 : vector<16xi32>
        %gather3A_91 = tpu.vector_load_idx %arg7[%get3A_35] : memref<16384xf32, #tpu.memory_space<vmem>>[vector<16xi32>], vector<16xf32>,
        %add3A_92 = arith.addf %gather3A_91, %get3A_39 : vector<16xf32>
        tpu.vector_store_idx %arg7[%get3A_35], %add3A_92 masked %eq3A_90 : memref<16384xf32, #tpu.memory_space<vmem>>[vector<16xi32>], vector<16xf32>, vector<16xi1>
        %eq3A_93 = arith.constant 11 : i32
        %eq3A_94 = vector.broadcast %eq3A_93 : i32 to vector<16xi32>
        %eq3A_95 = arith.cmpi eq, %iota3A, %eq3A_94 : vector<16xi32>
        %gather3A_96 = tpu.vector_load_idx %arg7[%get3A_35] : memref<16384xf32, #tpu.memory_space<vmem>>[vector<16xi32>], vector<16xf32>,
        %add3A_97 = arith.addf %gather3A_96, %get3A_39 : vector<16xf32>
        tpu.vector_store_idx %arg7[%get3A_35], %add3A_97 masked %eq3A_95 : memref<16384xf32, #tpu.memory_space<vmem>>[vector<16xi32>], vector<16xf32>, vector<16xi1>
        %eq3A_98 = arith.constant 12 : i32
        %eq3A_99 = vector.broadcast %eq3A_98 : i32 to vector<16xi32>
        %eq3A_100 = arith.cmpi eq, %iota3A, %eq3A_99 : vector<16xi32>
        %gather3A_101 = tpu.vector_load_idx %arg7[%get3A_35] : memref<16384xf32, #tpu.memory_space<vmem>>[vector<16xi32>], vector<16xf32>,
        %add3A_102 = arith.addf %gather3A_101, %get3A_39 : vector<16xf32>
        tpu.vector_store_idx %arg7[%get3A_35], %add3A_102 masked %eq3A_100 : memref<16384xf32, #tpu.memory_space<vmem>>[vector<16xi32>], vector<16xf32>, vector<16xi1>
        %eq3A_103 = arith.constant 13 : i32
        %eq3A_104 = vector.broadcast %eq3A_103 : i32 to vector<16xi32>
        %eq3A_105 = arith.cmpi eq, %iota3A, %eq3A_104 : vector<16xi32>
        %gather3A_106 = tpu.vector_load_idx %arg7[%get3A_35] : memref<16384xf32, #tpu.memory_space<vmem>>[vector<16xi32>], vector<16xf32>,
        %add3A_107 = arith.addf %gather3A_106, %get3A_39 : vector<16xf32>
        tpu.vector_store_idx %arg7[%get3A_35], %add3A_107 masked %eq3A_105 : memref<16384xf32, #tpu.memory_space<vmem>>[vector<16xi32>], vector<16xf32>, vector<16xi1>
        %eq3A_108 = arith.constant 14 : i32
        %eq3A_109 = vector.broadcast %eq3A_108 : i32 to vector<16xi32>
        %eq3A_110 = arith.cmpi eq, %iota3A, %eq3A_109 : vector<16xi32>
        %gather3A_111 = tpu.vector_load_idx %arg7[%get3A_35] : memref<16384xf32, #tpu.memory_space<vmem>>[vector<16xi32>], vector<16xf32>,
        %add3A_112 = arith.addf %gather3A_111, %get3A_39 : vector<16xf32>
        tpu.vector_store_idx %arg7[%get3A_35], %add3A_112 masked %eq3A_110 : memref<16384xf32, #tpu.memory_space<vmem>>[vector<16xi32>], vector<16xf32>, vector<16xi1>
        %eq3A_113 = arith.constant 15 : i32
        %eq3A_114 = vector.broadcast %eq3A_113 : i32 to vector<16xi32>
        %eq3A_115 = arith.cmpi eq, %iota3A, %eq3A_114 : vector<16xi32>
        %gather3A_116 = tpu.vector_load_idx %arg7[%get3A_35] : memref<16384xf32, #tpu.memory_space<vmem>>[vector<16xi32>], vector<16xf32>,
        %add3A_117 = arith.addf %gather3A_116, %get3A_39 : vector<16xf32>
        tpu.vector_store_idx %arg7[%get3A_35], %add3A_117 masked %eq3A_115 : memref<16384xf32, #tpu.memory_space<vmem>>[vector<16xi32>], vector<16xf32>, vector<16xi1>
      }
      %scan3A_14 = arith.constant 128 : i32
      "tpu.region"() ({
        %run_scoped3A_32 = tpu.sem_alloc : memref<!tpu.dma_semaphore, #tpu.memory_space<semaphore_mem>>
        %dma_start3A = arith.constant 0 : i32
        %dma_start3A_33 = tpu.memref_slice %arg11[%arg1, %dma_start3A] : memref<16x16384xf32, #tpu.memory_space<vmem_shared>> -> memref<1x16384xf32, #tpu.memory_space<vmem_shared>>
        %dma_start3A_34 = tpu.memref_squeeze %dma_start3A_33 : memref<1x16384xf32, #tpu.memory_space<vmem_shared>> -> memref<16384xf32, #tpu.memory_space<vmem_shared>>
        %dma_start3A_35 = arith.constant 0 : i32
        %dma_start3A_36 = tpu.memref_slice %arg11[%arg1, %dma_start3A_35] : memref<16x16384xf32, #tpu.memory_space<vmem_shared>> -> memref<1x16384xf32, #tpu.memory_space<vmem_shared>>
        %dma_start3A_37 = tpu.memref_squeeze %dma_start3A_36 : memref<1x16384xf32, #tpu.memory_space<vmem_shared>> -> memref<16384xf32, #tpu.memory_space<vmem_shared>>
        tpu.enqueue_dma source(%arg7 : memref<16384xf32, #tpu.memory_space<vmem>>) target(%dma_start3A_37 : memref<16384xf32, #tpu.memory_space<vmem_shared>>) target_semaphore(%run_scoped3A_32 : memref<!tpu.dma_semaphore, #tpu.memory_space<semaphore_mem>>)
        %dma_wait3A = arith.constant 0 : i32
        %dma_wait3A_38 = tpu.memref_slice %arg11[%arg1, %dma_wait3A] : memref<16x16384xf32, #tpu.memory_space<vmem_shared>> -> memref<1x16384xf32, #tpu.memory_space<vmem_shared>>
        %dma_wait3A_39 = tpu.memref_squeeze %dma_wait3A_38 : memref<1x16384xf32, #tpu.memory_space<vmem_shared>> -> memref<16384xf32, #tpu.memory_space<vmem_shared>>
        %dma_wait3A_40 = arith.constant 0 : i32
        %dma_wait3A_41 = tpu.memref_slice %arg11[%arg1, %dma_wait3A_40] : memref<16x16384xf32, #tpu.memory_space<vmem_shared>> -> memref<1x16384xf32, #tpu.memory_space<vmem_shared>>
        %dma_wait3A_42 = tpu.memref_squeeze %dma_wait3A_41 : memref<1x16384xf32, #tpu.memory_space<vmem_shared>> -> memref<16384xf32, #tpu.memory_space<vmem_shared>>
        tpu.wait_dma2 semaphore(%run_scoped3A_32 : memref<!tpu.dma_semaphore, #tpu.memory_space<semaphore_mem>>) src(%arg7 : memref<16384xf32, #tpu.memory_space<vmem>>) dst(%dma_wait3A_42 : memref<16384xf32, #tpu.memory_space<vmem_shared>>)
        tpu.yield
      }) : () -> ()
      %barrier3A = arith.constant 0 : index
      tpu.barrier barrier_id(%barrier3A)
      %mul3A_15 = arith.constant 1024 : i32
      %mul3A_16 = arith.muli %arg1, %mul3A_15 : i32
      %run_scoped3A = arith.constant 0 : i32
      "tpu.region"() ({
        %run_scoped3A_32 = tpu.sem_alloc : memref<!tpu.dma_semaphore, #tpu.memory_space<semaphore_mem>>
        %dma_start3A = tpu.memref_slice %arg11[%run_scoped3A, %mul3A_16] : memref<16x16384xf32, #tpu.memory_space<vmem_shared>> -> memref<1x1024xf32, #tpu.memory_space<vmem_shared>>
        %dma_start3A_33 = tpu.memref_squeeze %dma_start3A : memref<1x1024xf32, #tpu.memory_space<vmem_shared>> -> memref<1024xf32, #tpu.memory_space<vmem_shared>>
        %dma_start3A_34 = tpu.memref_slice %arg11[%run_scoped3A, %mul3A_16] : memref<16x16384xf32, #tpu.memory_space<vmem_shared>> -> memref<1x1024xf32, #tpu.memory_space<vmem_shared>>
        %dma_start3A_35 = tpu.memref_squeeze %dma_start3A_34 : memref<1x1024xf32, #tpu.memory_space<vmem_shared>> -> memref<1024xf32, #tpu.memory_space<vmem_shared>>
        tpu.enqueue_dma source(%dma_start3A_35 : memref<1024xf32, #tpu.memory_space<vmem_shared>>) target(%arg9 : memref<1024xf32, #tpu.memory_space<vmem>>) target_semaphore(%run_scoped3A_32 : memref<!tpu.dma_semaphore, #tpu.memory_space<semaphore_mem>>)
        %dma_wait3A = tpu.memref_slice %arg11[%run_scoped3A, %mul3A_16] : memref<16x16384xf32, #tpu.memory_space<vmem_shared>> -> memref<1x1024xf32, #tpu.memory_space<vmem_shared>>
        %dma_wait3A_36 = tpu.memref_squeeze %dma_wait3A : memref<1x1024xf32, #tpu.memory_space<vmem_shared>> -> memref<1024xf32, #tpu.memory_space<vmem_shared>>
        %dma_wait3A_37 = tpu.memref_slice %arg11[%run_scoped3A, %mul3A_16] : memref<16x16384xf32, #tpu.memory_space<vmem_shared>> -> memref<1x1024xf32, #tpu.memory_space<vmem_shared>>
        %dma_wait3A_38 = tpu.memref_squeeze %dma_wait3A_37 : memref<1x1024xf32, #tpu.memory_space<vmem_shared>> -> memref<1024xf32, #tpu.memory_space<vmem_shared>>
        tpu.wait_dma2 semaphore(%run_scoped3A_32 : memref<!tpu.dma_semaphore, #tpu.memory_space<semaphore_mem>>) src(%dma_wait3A_38 : memref<1024xf32, #tpu.memory_space<vmem_shared>>) dst(%arg9 : memref<1024xf32, #tpu.memory_space<vmem>>)
        tpu.yield
      }) : () -> ()
      %scan3A_17 = arith.constant 0 : i32
      %scan3A_18 = arith.constant 1 : i32
      %scan3A_19 = arith.constant 15 : i32
      %scan3A_20 = arith.addi %scan3A_18, %scan3A_19 : i32
      %scan3A_21 = arith.constant 1 : i32
      scf.for %scan3A_32 = %scan3A_18 to %scan3A_20 step %scan3A_21  : i32 {
        "tpu.region"() ({
          %run_scoped3A_39 = tpu.sem_alloc : memref<!tpu.dma_semaphore, #tpu.memory_space<semaphore_mem>>
          %dma_start3A = tpu.memref_slice %arg11[%scan3A_32, %mul3A_16] : memref<16x16384xf32, #tpu.memory_space<vmem_shared>> -> memref<1x1024xf32, #tpu.memory_space<vmem_shared>>
          %dma_start3A_40 = tpu.memref_squeeze %dma_start3A : memref<1x1024xf32, #tpu.memory_space<vmem_shared>> -> memref<1024xf32, #tpu.memory_space<vmem_shared>>
          %dma_start3A_41 = tpu.memref_slice %arg11[%scan3A_32, %mul3A_16] : memref<16x16384xf32, #tpu.memory_space<vmem_shared>> -> memref<1x1024xf32, #tpu.memory_space<vmem_shared>>
          %dma_start3A_42 = tpu.memref_squeeze %dma_start3A_41 : memref<1x1024xf32, #tpu.memory_space<vmem_shared>> -> memref<1024xf32, #tpu.memory_space<vmem_shared>>
          tpu.enqueue_dma source(%dma_start3A_42 : memref<1024xf32, #tpu.memory_space<vmem_shared>>) target(%arg10 : memref<1024xf32, #tpu.memory_space<vmem>>) target_semaphore(%run_scoped3A_39 : memref<!tpu.dma_semaphore, #tpu.memory_space<semaphore_mem>>)
          %dma_wait3A = tpu.memref_slice %arg11[%scan3A_32, %mul3A_16] : memref<16x16384xf32, #tpu.memory_space<vmem_shared>> -> memref<1x1024xf32, #tpu.memory_space<vmem_shared>>
          %dma_wait3A_43 = tpu.memref_squeeze %dma_wait3A : memref<1x1024xf32, #tpu.memory_space<vmem_shared>> -> memref<1024xf32, #tpu.memory_space<vmem_shared>>
          %dma_wait3A_44 = tpu.memref_slice %arg11[%scan3A_32, %mul3A_16] : memref<16x16384xf32, #tpu.memory_space<vmem_shared>> -> memref<1x1024xf32, #tpu.memory_space<vmem_shared>>
          %dma_wait3A_45 = tpu.memref_squeeze %dma_wait3A_44 : memref<1x1024xf32, #tpu.memory_space<vmem_shared>> -> memref<1024xf32, #tpu.memory_space<vmem_shared>>
          tpu.wait_dma2 semaphore(%run_scoped3A_39 : memref<!tpu.dma_semaphore, #tpu.memory_space<semaphore_mem>>) src(%dma_wait3A_45 : memref<1024xf32, #tpu.memory_space<vmem_shared>>) dst(%arg10 : memref<1024xf32, #tpu.memory_space<vmem>>)
          tpu.yield
        }) : () -> ()
        %scan3A_33 = arith.constant 0 : i32
        %scan3A_34 = arith.constant 0 : i32
        %scan3A_35 = arith.constant 64 : i32
        %scan3A_36 = arith.addi %scan3A_34, %scan3A_35 : i32
        %scan3A_37 = arith.constant 1 : i32
        scf.for %scan3A_39 = %scan3A_34 to %scan3A_36 step %scan3A_37  : i32 {
          %mul3A_40 = arith.constant 16 : i32
          %mul3A_41 = arith.muli %scan3A_39, %mul3A_40 : i32
          %get3A = arith.index_cast %mul3A_41 : i32 to index
          %get3A_42 = tpu.vector_load %arg9[%get3A] {strides = array<i32>} : memref<1024xf32, #tpu.memory_space<vmem>>, vector<16xf32>,
          %mul3A_43 = arith.constant 16 : i32
          %mul3A_44 = arith.muli %scan3A_39, %mul3A_43 : i32
          %get3A_45 = arith.index_cast %mul3A_44 : i32 to index
          %get3A_46 = tpu.vector_load %arg10[%get3A_45] {strides = array<i32>} : memref<1024xf32, #tpu.memory_space<vmem>>, vector<16xf32>,
          %add3A = arith.addf %get3A_42, %get3A_46 : vector<16xf32>
          %mul3A_47 = arith.constant 16 : i32
          %mul3A_48 = arith.muli %scan3A_39, %mul3A_47 : i32
          %swap3A = arith.index_cast %mul3A_48 : i32 to index
          %swap3A_49 = tpu.vector_load %arg9[%swap3A] {strides = array<i32>} : memref<1024xf32, #tpu.memory_space<vmem>>, vector<16xf32>,
          tpu.vector_store %arg9[%swap3A], %add3A {strides = array<i32>} : memref<1024xf32, #tpu.memory_space<vmem>>, vector<16xf32>,
        }
        %scan3A_38 = arith.constant 64 : i32
      }
      %scan3A_22 = arith.constant 15 : i32
      %run_scoped3A_23 = arith.constant 0 : i32
      "tpu.region"() ({
        %run_scoped3A_32 = tpu.sem_alloc : memref<!tpu.dma_semaphore, #tpu.memory_space<semaphore_mem>>
        %dma_start3A = tpu.memref_slice %arg11[%run_scoped3A_23, %mul3A_16] : memref<16x16384xf32, #tpu.memory_space<vmem_shared>> -> memref<1x1024xf32, #tpu.memory_space<vmem_shared>>
        %dma_start3A_33 = tpu.memref_squeeze %dma_start3A : memref<1x1024xf32, #tpu.memory_space<vmem_shared>> -> memref<1024xf32, #tpu.memory_space<vmem_shared>>
        %dma_start3A_34 = tpu.memref_slice %arg11[%run_scoped3A_23, %mul3A_16] : memref<16x16384xf32, #tpu.memory_space<vmem_shared>> -> memref<1x1024xf32, #tpu.memory_space<vmem_shared>>
        %dma_start3A_35 = tpu.memref_squeeze %dma_start3A_34 : memref<1x1024xf32, #tpu.memory_space<vmem_shared>> -> memref<1024xf32, #tpu.memory_space<vmem_shared>>
        tpu.enqueue_dma source(%arg9 : memref<1024xf32, #tpu.memory_space<vmem>>) target(%dma_start3A_35 : memref<1024xf32, #tpu.memory_space<vmem_shared>>) target_semaphore(%run_scoped3A_32 : memref<!tpu.dma_semaphore, #tpu.memory_space<semaphore_mem>>)
        %dma_wait3A = tpu.memref_slice %arg11[%run_scoped3A_23, %mul3A_16] : memref<16x16384xf32, #tpu.memory_space<vmem_shared>> -> memref<1x1024xf32, #tpu.memory_space<vmem_shared>>
        %dma_wait3A_36 = tpu.memref_squeeze %dma_wait3A : memref<1x1024xf32, #tpu.memory_space<vmem_shared>> -> memref<1024xf32, #tpu.memory_space<vmem_shared>>
        %dma_wait3A_37 = tpu.memref_slice %arg11[%run_scoped3A_23, %mul3A_16] : memref<16x16384xf32, #tpu.memory_space<vmem_shared>> -> memref<1x1024xf32, #tpu.memory_space<vmem_shared>>
        %dma_wait3A_38 = tpu.memref_squeeze %dma_wait3A_37 : memref<1x1024xf32, #tpu.memory_space<vmem_shared>> -> memref<1024xf32, #tpu.memory_space<vmem_shared>>
        tpu.wait_dma2 semaphore(%run_scoped3A_32 : memref<!tpu.dma_semaphore, #tpu.memory_space<semaphore_mem>>) src(%arg9 : memref<1024xf32, #tpu.memory_space<vmem>>) dst(%dma_wait3A_38 : memref<1024xf32, #tpu.memory_space<vmem_shared>>)
        tpu.yield
      }) : () -> ()
      %barrier3A_24 = arith.constant 0 : index
      tpu.barrier barrier_id(%barrier3A_24)
      %run_scoped3A_25 = arith.constant 0 : i32
      "tpu.region"() ({
        %run_scoped3A_32 = tpu.sem_alloc : memref<!tpu.dma_semaphore, #tpu.memory_space<semaphore_mem>>
        %dma_start3A = arith.constant 0 : i32
        %dma_start3A_33 = tpu.memref_slice %arg11[%run_scoped3A_25, %dma_start3A] : memref<16x16384xf32, #tpu.memory_space<vmem_shared>> -> memref<1x16384xf32, #tpu.memory_space<vmem_shared>>
        %dma_start3A_34 = tpu.memref_squeeze %dma_start3A_33 : memref<1x16384xf32, #tpu.memory_space<vmem_shared>> -> memref<16384xf32, #tpu.memory_space<vmem_shared>>
        %dma_start3A_35 = arith.constant 0 : i32
        %dma_start3A_36 = tpu.memref_slice %arg11[%run_scoped3A_25, %dma_start3A_35] : memref<16x16384xf32, #tpu.memory_space<vmem_shared>> -> memref<1x16384xf32, #tpu.memory_space<vmem_shared>>
        %dma_start3A_37 = tpu.memref_squeeze %dma_start3A_36 : memref<1x16384xf32, #tpu.memory_space<vmem_shared>> -> memref<16384xf32, #tpu.memory_space<vmem_shared>>
        tpu.enqueue_dma source(%dma_start3A_37 : memref<16384xf32, #tpu.memory_space<vmem_shared>>) target(%arg7 : memref<16384xf32, #tpu.memory_space<vmem>>) target_semaphore(%run_scoped3A_32 : memref<!tpu.dma_semaphore, #tpu.memory_space<semaphore_mem>>)
        %dma_wait3A = arith.constant 0 : i32
        %dma_wait3A_38 = tpu.memref_slice %arg11[%run_scoped3A_25, %dma_wait3A] : memref<16x16384xf32, #tpu.memory_space<vmem_shared>> -> memref<1x16384xf32, #tpu.memory_space<vmem_shared>>
        %dma_wait3A_39 = tpu.memref_squeeze %dma_wait3A_38 : memref<1x16384xf32, #tpu.memory_space<vmem_shared>> -> memref<16384xf32, #tpu.memory_space<vmem_shared>>
        %dma_wait3A_40 = arith.constant 0 : i32
        %dma_wait3A_41 = tpu.memref_slice %arg11[%run_scoped3A_25, %dma_wait3A_40] : memref<16x16384xf32, #tpu.memory_space<vmem_shared>> -> memref<1x16384xf32, #tpu.memory_space<vmem_shared>>
        %dma_wait3A_42 = tpu.memref_squeeze %dma_wait3A_41 : memref<1x16384xf32, #tpu.memory_space<vmem_shared>> -> memref<16384xf32, #tpu.memory_space<vmem_shared>>
        tpu.wait_dma2 semaphore(%run_scoped3A_32 : memref<!tpu.dma_semaphore, #tpu.memory_space<semaphore_mem>>) src(%dma_wait3A_42 : memref<16384xf32, #tpu.memory_space<vmem_shared>>) dst(%arg7 : memref<16384xf32, #tpu.memory_space<vmem>>)
        tpu.yield
      }) : () -> ()
      %scan3A_26 = arith.constant 0 : i32
      %scan3A_27 = arith.constant 0 : i32
      %scan3A_28 = arith.constant 128 : i32
      %scan3A_29 = arith.addi %scan3A_27, %scan3A_28 : i32
      %scan3A_30 = arith.constant 1 : i32
      scf.for %scan3A_32 = %scan3A_27 to %scan3A_29 step %scan3A_30  : i32 {
        %mul3A_33 = arith.constant 16 : i32
        %mul3A_34 = arith.muli %scan3A_32, %mul3A_33 : i32
        %get3A = arith.index_cast %mul3A_34 : i32 to index
        %get3A_35 = tpu.vector_load %arg5[%get3A] {strides = array<i32>} : memref<2048xi32, #tpu.memory_space<vmem>>, vector<16xi32>,
        %gather3A = tpu.vector_load_idx %arg7[%get3A_35] : memref<16384xf32, #tpu.memory_space<vmem>>[vector<16xi32>], vector<16xf32>,
        %mul3A_36 = arith.constant 16 : i32
        %mul3A_37 = arith.muli %scan3A_32, %mul3A_36 : i32
        %swap3A = arith.index_cast %mul3A_37 : i32 to index
        %swap3A_38 = tpu.vector_load %arg8[%swap3A] {strides = array<i32>} : memref<2048xf32, #tpu.memory_space<vmem>>, vector<16xf32>,
        tpu.vector_store %arg8[%swap3A], %gather3A {strides = array<i32>} : memref<2048xf32, #tpu.memory_space<vmem>>, vector<16xf32>,
      }
      %scan3A_31 = arith.constant 128 : i32
      "tpu.region"() ({
        %run_scoped3A_32 = tpu.sem_alloc : memref<!tpu.dma_semaphore, #tpu.memory_space<semaphore_mem>>
        %dma_start3A = tpu.memref_slice %arg4[%mul3A_2] : memref<32768xf32, #tpu.memory_space<hbm>> -> memref<2048xf32, #tpu.memory_space<hbm>>
        %dma_start3A_33 = tpu.memref_slice %arg4[%mul3A_2] : memref<32768xf32, #tpu.memory_space<hbm>> -> memref<2048xf32, #tpu.memory_space<hbm>>
        tpu.enqueue_dma source(%arg8 : memref<2048xf32, #tpu.memory_space<vmem>>) target(%dma_start3A_33 : memref<2048xf32, #tpu.memory_space<hbm>>) target_semaphore(%run_scoped3A_32 : memref<!tpu.dma_semaphore, #tpu.memory_space<semaphore_mem>>)
        %dma_wait3A = tpu.memref_slice %arg4[%mul3A_2] : memref<32768xf32, #tpu.memory_space<hbm>> -> memref<2048xf32, #tpu.memory_space<hbm>>
        %dma_wait3A_34 = tpu.memref_slice %arg4[%mul3A_2] : memref<32768xf32, #tpu.memory_space<hbm>> -> memref<2048xf32, #tpu.memory_space<hbm>>
        tpu.wait_dma2 semaphore(%run_scoped3A_32 : memref<!tpu.dma_semaphore, #tpu.memory_space<semaphore_mem>>) src(%arg8 : memref<2048xf32, #tpu.memory_space<vmem>>) dst(%dma_wait3A_34 : memref<2048xf32, #tpu.memory_space<hbm>>)
        tpu.yield
      }) : () -> ()
    } else {
    }
    return
  }
}

#map = affine_map<(d0, d1) -> (0)>
module attributes {stable_mosaic.version = 14 : i64} {
  func.func @_segmax_gather_body(%arg0: i32, %arg1: i32, %arg2: memref<32768xf32, #tpu.memory_space<hbm>>, %arg3: memref<32768xi32, #tpu.memory_space<hbm>>, %arg4: memref<16384xf32, #tpu.memory_space<hbm>>, %arg5: memref<32768xf32, #tpu.memory_space<hbm>>, %arg6: memref<32768xf32, #tpu.memory_space<hbm>>, %arg7: memref<2048xi32, #tpu.memory_space<vmem>>, %arg8: memref<2048xf32, #tpu.memory_space<vmem>>, %arg9: memref<16384xf32, #tpu.memory_space<vmem>>, %arg10: memref<16384xf32, #tpu.memory_space<vmem>>, %arg11: memref<2048xf32, #tpu.memory_space<vmem>>, %arg12: memref<2048xf32, #tpu.memory_space<vmem>>, %arg13: memref<1024xf32, #tpu.memory_space<vmem>>, %arg14: memref<1024xf32, #tpu.memory_space<vmem>>, %arg15: memref<16x16384xf32, #tpu.memory_space<vmem_shared>>) attributes {dimension_semantics = [#tpu.dimension_semantics<core_parallel>, #tpu.dimension_semantics<subcore_parallel>], iteration_bounds = array<i64: 2, 16>, scalar_prefetch = 0 : i64, scratch_operands = 9 : i64, tpu.core_type = #tpu.core_type<sc_vector_subcore>, window_params = [{transform_indices = #map}, {transform_indices = #map}, {transform_indices = #map}, {transform_indices = #map}, {transform_indices = #map}]} {
    %eq3A = arith.constant 0 : i32
    %eq3A_0 = arith.cmpi eq, %arg0, %eq3A : i32
    %convert_element_type3A = arith.extui %eq3A_0 : i1 to i32
    %cond3A = arith.constant 0 : i32
    %cond3A_1 = arith.cmpi ne, %convert_element_type3A, %cond3A : i32
    scf.if %cond3A_1 {
      %mul3A = arith.constant 2048 : i32
      %mul3A_2 = arith.muli %arg1, %mul3A : i32
      "tpu.region"() ({
        %run_scoped3A_32 = tpu.sem_alloc : memref<!tpu.dma_semaphore, #tpu.memory_space<semaphore_mem>>
        %dma_start3A = tpu.memref_slice %arg2[%mul3A_2] : memref<32768xf32, #tpu.memory_space<hbm>> -> memref<2048xf32, #tpu.memory_space<hbm>>
        %dma_start3A_33 = tpu.memref_slice %arg2[%mul3A_2] : memref<32768xf32, #tpu.memory_space<hbm>> -> memref<2048xf32, #tpu.memory_space<hbm>>
        tpu.enqueue_dma source(%dma_start3A_33 : memref<2048xf32, #tpu.memory_space<hbm>>) target(%arg8 : memref<2048xf32, #tpu.memory_space<vmem>>) target_semaphore(%run_scoped3A_32 : memref<!tpu.dma_semaphore, #tpu.memory_space<semaphore_mem>>)
        %dma_wait3A = tpu.memref_slice %arg2[%mul3A_2] : memref<32768xf32, #tpu.memory_space<hbm>> -> memref<2048xf32, #tpu.memory_space<hbm>>
        %dma_wait3A_34 = tpu.memref_slice %arg2[%mul3A_2] : memref<32768xf32, #tpu.memory_space<hbm>> -> memref<2048xf32, #tpu.memory_space<hbm>>
        tpu.wait_dma2 semaphore(%run_scoped3A_32 : memref<!tpu.dma_semaphore, #tpu.memory_space<semaphore_mem>>) src(%dma_wait3A_34 : memref<2048xf32, #tpu.memory_space<hbm>>) dst(%arg8 : memref<2048xf32, #tpu.memory_space<vmem>>)
        tpu.yield
      }) : () -> ()
      "tpu.region"() ({
        %run_scoped3A_32 = tpu.sem_alloc : memref<!tpu.dma_semaphore, #tpu.memory_space<semaphore_mem>>
        %dma_start3A = tpu.memref_slice %arg3[%mul3A_2] : memref<32768xi32, #tpu.memory_space<hbm>> -> memref<2048xi32, #tpu.memory_space<hbm>>
        %dma_start3A_33 = tpu.memref_slice %arg3[%mul3A_2] : memref<32768xi32, #tpu.memory_space<hbm>> -> memref<2048xi32, #tpu.memory_space<hbm>>
        tpu.enqueue_dma source(%dma_start3A_33 : memref<2048xi32, #tpu.memory_space<hbm>>) target(%arg7 : memref<2048xi32, #tpu.memory_space<vmem>>) target_semaphore(%run_scoped3A_32 : memref<!tpu.dma_semaphore, #tpu.memory_space<semaphore_mem>>)
        %dma_wait3A = tpu.memref_slice %arg3[%mul3A_2] : memref<32768xi32, #tpu.memory_space<hbm>> -> memref<2048xi32, #tpu.memory_space<hbm>>
        %dma_wait3A_34 = tpu.memref_slice %arg3[%mul3A_2] : memref<32768xi32, #tpu.memory_space<hbm>> -> memref<2048xi32, #tpu.memory_space<hbm>>
        tpu.wait_dma2 semaphore(%run_scoped3A_32 : memref<!tpu.dma_semaphore, #tpu.memory_space<semaphore_mem>>) src(%dma_wait3A_34 : memref<2048xi32, #tpu.memory_space<hbm>>) dst(%arg7 : memref<2048xi32, #tpu.memory_space<vmem>>)
        tpu.yield
      }) : () -> ()
      "tpu.region"() ({
        %run_scoped3A_32 = tpu.sem_alloc : memref<!tpu.dma_semaphore, #tpu.memory_space<semaphore_mem>>
        tpu.enqueue_dma source(%arg4 : memref<16384xf32, #tpu.memory_space<hbm>>) target(%arg10 : memref<16384xf32, #tpu.memory_space<vmem>>) target_semaphore(%run_scoped3A_32 : memref<!tpu.dma_semaphore, #tpu.memory_space<semaphore_mem>>)
        tpu.wait_dma2 semaphore(%run_scoped3A_32 : memref<!tpu.dma_semaphore, #tpu.memory_space<semaphore_mem>>) src(%arg4 : memref<16384xf32, #tpu.memory_space<hbm>>) dst(%arg10 : memref<16384xf32, #tpu.memory_space<vmem>>)
        tpu.yield
      }) : () -> ()
      %broadcast_in_dim3A = arith.constant 0xFF800000 : f32
      %broadcast_in_dim3A_3 = vector.broadcast %broadcast_in_dim3A : f32 to vector<16xf32>
      %scan3A = arith.constant 0 : i32
      %scan3A_4 = arith.constant 0 : i32
      %scan3A_5 = arith.constant 1024 : i32
      %scan3A_6 = arith.addi %scan3A_4, %scan3A_5 : i32
      %scan3A_7 = arith.constant 1 : i32
      scf.for %scan3A_32 = %scan3A_4 to %scan3A_6 step %scan3A_7  : i32 {
        %mul3A_33 = arith.constant 16 : i32
        %mul3A_34 = arith.muli %scan3A_32, %mul3A_33 : i32
        %swap3A = arith.index_cast %mul3A_34 : i32 to index
        %swap3A_35 = tpu.vector_load %arg9[%swap3A] {strides = array<i32>} : memref<16384xf32, #tpu.memory_space<vmem>>, vector<16xf32>,
        tpu.vector_store %arg9[%swap3A], %broadcast_in_dim3A_3 {strides = array<i32>} : memref<16384xf32, #tpu.memory_space<vmem>>, vector<16xf32>,
      }
      %scan3A_8 = arith.constant 1024 : i32
      %scan3A_9 = arith.constant 0 : i32
      %scan3A_10 = arith.constant 0 : i32
      %scan3A_11 = arith.constant 128 : i32
      %scan3A_12 = arith.addi %scan3A_10, %scan3A_11 : i32
      %scan3A_13 = arith.constant 1 : i32
      scf.for %scan3A_32 = %scan3A_10 to %scan3A_12 step %scan3A_13  : i32 {
        %mul3A_33 = arith.constant 16 : i32
        %mul3A_34 = arith.muli %scan3A_32, %mul3A_33 : i32
        %get3A = arith.index_cast %mul3A_34 : i32 to index
        %get3A_35 = tpu.vector_load %arg7[%get3A] {strides = array<i32>} : memref<2048xi32, #tpu.memory_space<vmem>>, vector<16xi32>,
        %mul3A_36 = arith.constant 16 : i32
        %mul3A_37 = arith.muli %scan3A_32, %mul3A_36 : i32
        %get3A_38 = arith.index_cast %mul3A_37 : i32 to index
        %get3A_39 = tpu.vector_load %arg8[%get3A_38] {strides = array<i32>} : memref<2048xf32, #tpu.memory_space<vmem>>, vector<16xf32>,
        %gather3A = tpu.vector_load_idx %arg9[%get3A_35] : memref<16384xf32, #tpu.memory_space<vmem>>[vector<16xi32>], vector<16xf32>,
        %max3A = arith.maximumf %gather3A, %get3A_39 : vector<16xf32>
        %gt3A = arith.cmpf ogt, %get3A_39, %gather3A : vector<16xf32>
        tpu.vector_store_idx %arg9[%get3A_35], %max3A masked %gt3A : memref<16384xf32, #tpu.memory_space<vmem>>[vector<16xi32>], vector<16xf32>, vector<16xi1>
        %gather3A_40 = tpu.vector_load_idx %arg9[%get3A_35] : memref<16384xf32, #tpu.memory_space<vmem>>[vector<16xi32>], vector<16xf32>,
        %max3A_41 = arith.maximumf %gather3A_40, %get3A_39 : vector<16xf32>
        %gt3A_42 = arith.cmpf ogt, %get3A_39, %gather3A_40 : vector<16xf32>
        tpu.vector_store_idx %arg9[%get3A_35], %max3A_41 masked %gt3A_42 : memref<16384xf32, #tpu.memory_space<vmem>>[vector<16xi32>], vector<16xf32>, vector<16xi1>
        %gather3A_43 = tpu.vector_load_idx %arg9[%get3A_35] : memref<16384xf32, #tpu.memory_space<vmem>>[vector<16xi32>], vector<16xf32>,
        %max3A_44 = arith.maximumf %gather3A_43, %get3A_39 : vector<16xf32>
        %gt3A_45 = arith.cmpf ogt, %get3A_39, %gather3A_43 : vector<16xf32>
        tpu.vector_store_idx %arg9[%get3A_35], %max3A_44 masked %gt3A_45 : memref<16384xf32, #tpu.memory_space<vmem>>[vector<16xi32>], vector<16xf32>, vector<16xi1>
        %gather3A_46 = tpu.vector_load_idx %arg9[%get3A_35] : memref<16384xf32, #tpu.memory_space<vmem>>[vector<16xi32>], vector<16xf32>,
        %max3A_47 = arith.maximumf %gather3A_46, %get3A_39 : vector<16xf32>
        %gt3A_48 = arith.cmpf ogt, %get3A_39, %gather3A_46 : vector<16xf32>
        tpu.vector_store_idx %arg9[%get3A_35], %max3A_47 masked %gt3A_48 : memref<16384xf32, #tpu.memory_space<vmem>>[vector<16xi32>], vector<16xf32>, vector<16xi1>
        %gather3A_49 = tpu.vector_load_idx %arg9[%get3A_35] : memref<16384xf32, #tpu.memory_space<vmem>>[vector<16xi32>], vector<16xf32>,
        %max3A_50 = arith.maximumf %gather3A_49, %get3A_39 : vector<16xf32>
        %gt3A_51 = arith.cmpf ogt, %get3A_39, %gather3A_49 : vector<16xf32>
        tpu.vector_store_idx %arg9[%get3A_35], %max3A_50 masked %gt3A_51 : memref<16384xf32, #tpu.memory_space<vmem>>[vector<16xi32>], vector<16xf32>, vector<16xi1>
        %gather3A_52 = tpu.vector_load_idx %arg9[%get3A_35] : memref<16384xf32, #tpu.memory_space<vmem>>[vector<16xi32>], vector<16xf32>,
        %max3A_53 = arith.maximumf %gather3A_52, %get3A_39 : vector<16xf32>
        %gt3A_54 = arith.cmpf ogt, %get3A_39, %gather3A_52 : vector<16xf32>
        tpu.vector_store_idx %arg9[%get3A_35], %max3A_53 masked %gt3A_54 : memref<16384xf32, #tpu.memory_space<vmem>>[vector<16xi32>], vector<16xf32>, vector<16xi1>
        %gather3A_55 = tpu.vector_load_idx %arg9[%get3A_35] : memref<16384xf32, #tpu.memory_space<vmem>>[vector<16xi32>], vector<16xf32>,
        %max3A_56 = arith.maximumf %gather3A_55, %get3A_39 : vector<16xf32>
        %gt3A_57 = arith.cmpf ogt, %get3A_39, %gather3A_55 : vector<16xf32>
        tpu.vector_store_idx %arg9[%get3A_35], %max3A_56 masked %gt3A_57 : memref<16384xf32, #tpu.memory_space<vmem>>[vector<16xi32>], vector<16xf32>, vector<16xi1>
        %gather3A_58 = tpu.vector_load_idx %arg9[%get3A_35] : memref<16384xf32, #tpu.memory_space<vmem>>[vector<16xi32>], vector<16xf32>,
        %max3A_59 = arith.maximumf %gather3A_58, %get3A_39 : vector<16xf32>
        %gt3A_60 = arith.cmpf ogt, %get3A_39, %gather3A_58 : vector<16xf32>
        tpu.vector_store_idx %arg9[%get3A_35], %max3A_59 masked %gt3A_60 : memref<16384xf32, #tpu.memory_space<vmem>>[vector<16xi32>], vector<16xf32>, vector<16xi1>
        %gather3A_61 = tpu.vector_load_idx %arg9[%get3A_35] : memref<16384xf32, #tpu.memory_space<vmem>>[vector<16xi32>], vector<16xf32>,
        %max3A_62 = arith.maximumf %gather3A_61, %get3A_39 : vector<16xf32>
        %gt3A_63 = arith.cmpf ogt, %get3A_39, %gather3A_61 : vector<16xf32>
        tpu.vector_store_idx %arg9[%get3A_35], %max3A_62 masked %gt3A_63 : memref<16384xf32, #tpu.memory_space<vmem>>[vector<16xi32>], vector<16xf32>, vector<16xi1>
        %gather3A_64 = tpu.vector_load_idx %arg9[%get3A_35] : memref<16384xf32, #tpu.memory_space<vmem>>[vector<16xi32>], vector<16xf32>,
        %max3A_65 = arith.maximumf %gather3A_64, %get3A_39 : vector<16xf32>
        %gt3A_66 = arith.cmpf ogt, %get3A_39, %gather3A_64 : vector<16xf32>
        tpu.vector_store_idx %arg9[%get3A_35], %max3A_65 masked %gt3A_66 : memref<16384xf32, #tpu.memory_space<vmem>>[vector<16xi32>], vector<16xf32>, vector<16xi1>
        %gather3A_67 = tpu.vector_load_idx %arg9[%get3A_35] : memref<16384xf32, #tpu.memory_space<vmem>>[vector<16xi32>], vector<16xf32>,
        %max3A_68 = arith.maximumf %gather3A_67, %get3A_39 : vector<16xf32>
        %gt3A_69 = arith.cmpf ogt, %get3A_39, %gather3A_67 : vector<16xf32>
        tpu.vector_store_idx %arg9[%get3A_35], %max3A_68 masked %gt3A_69 : memref<16384xf32, #tpu.memory_space<vmem>>[vector<16xi32>], vector<16xf32>, vector<16xi1>
        %gather3A_70 = tpu.vector_load_idx %arg9[%get3A_35] : memref<16384xf32, #tpu.memory_space<vmem>>[vector<16xi32>], vector<16xf32>,
        %max3A_71 = arith.maximumf %gather3A_70, %get3A_39 : vector<16xf32>
        %gt3A_72 = arith.cmpf ogt, %get3A_39, %gather3A_70 : vector<16xf32>
        tpu.vector_store_idx %arg9[%get3A_35], %max3A_71 masked %gt3A_72 : memref<16384xf32, #tpu.memory_space<vmem>>[vector<16xi32>], vector<16xf32>, vector<16xi1>
        %gather3A_73 = tpu.vector_load_idx %arg9[%get3A_35] : memref<16384xf32, #tpu.memory_space<vmem>>[vector<16xi32>], vector<16xf32>,
        %max3A_74 = arith.maximumf %gather3A_73, %get3A_39 : vector<16xf32>
        %gt3A_75 = arith.cmpf ogt, %get3A_39, %gather3A_73 : vector<16xf32>
        tpu.vector_store_idx %arg9[%get3A_35], %max3A_74 masked %gt3A_75 : memref<16384xf32, #tpu.memory_space<vmem>>[vector<16xi32>], vector<16xf32>, vector<16xi1>
        %gather3A_76 = tpu.vector_load_idx %arg9[%get3A_35] : memref<16384xf32, #tpu.memory_space<vmem>>[vector<16xi32>], vector<16xf32>,
        %max3A_77 = arith.maximumf %gather3A_76, %get3A_39 : vector<16xf32>
        %gt3A_78 = arith.cmpf ogt, %get3A_39, %gather3A_76 : vector<16xf32>
        tpu.vector_store_idx %arg9[%get3A_35], %max3A_77 masked %gt3A_78 : memref<16384xf32, #tpu.memory_space<vmem>>[vector<16xi32>], vector<16xf32>, vector<16xi1>
        %gather3A_79 = tpu.vector_load_idx %arg9[%get3A_35] : memref<16384xf32, #tpu.memory_space<vmem>>[vector<16xi32>], vector<16xf32>,
        %max3A_80 = arith.maximumf %gather3A_79, %get3A_39 : vector<16xf32>
        %gt3A_81 = arith.cmpf ogt, %get3A_39, %gather3A_79 : vector<16xf32>
        tpu.vector_store_idx %arg9[%get3A_35], %max3A_80 masked %gt3A_81 : memref<16384xf32, #tpu.memory_space<vmem>>[vector<16xi32>], vector<16xf32>, vector<16xi1>
        %gather3A_82 = tpu.vector_load_idx %arg9[%get3A_35] : memref<16384xf32, #tpu.memory_space<vmem>>[vector<16xi32>], vector<16xf32>,
        %max3A_83 = arith.maximumf %gather3A_82, %get3A_39 : vector<16xf32>
        %gt3A_84 = arith.cmpf ogt, %get3A_39, %gather3A_82 : vector<16xf32>
        tpu.vector_store_idx %arg9[%get3A_35], %max3A_83 masked %gt3A_84 : memref<16384xf32, #tpu.memory_space<vmem>>[vector<16xi32>], vector<16xf32>, vector<16xi1>
      }
      %scan3A_14 = arith.constant 128 : i32
      "tpu.region"() ({
        %run_scoped3A_32 = tpu.sem_alloc : memref<!tpu.dma_semaphore, #tpu.memory_space<semaphore_mem>>
        %dma_start3A = arith.constant 0 : i32
        %dma_start3A_33 = tpu.memref_slice %arg15[%arg1, %dma_start3A] : memref<16x16384xf32, #tpu.memory_space<vmem_shared>> -> memref<1x16384xf32, #tpu.memory_space<vmem_shared>>
        %dma_start3A_34 = tpu.memref_squeeze %dma_start3A_33 : memref<1x16384xf32, #tpu.memory_space<vmem_shared>> -> memref<16384xf32, #tpu.memory_space<vmem_shared>>
        %dma_start3A_35 = arith.constant 0 : i32
        %dma_start3A_36 = tpu.memref_slice %arg15[%arg1, %dma_start3A_35] : memref<16x16384xf32, #tpu.memory_space<vmem_shared>> -> memref<1x16384xf32, #tpu.memory_space<vmem_shared>>
        %dma_start3A_37 = tpu.memref_squeeze %dma_start3A_36 : memref<1x16384xf32, #tpu.memory_space<vmem_shared>> -> memref<16384xf32, #tpu.memory_space<vmem_shared>>
        tpu.enqueue_dma source(%arg9 : memref<16384xf32, #tpu.memory_space<vmem>>) target(%dma_start3A_37 : memref<16384xf32, #tpu.memory_space<vmem_shared>>) target_semaphore(%run_scoped3A_32 : memref<!tpu.dma_semaphore, #tpu.memory_space<semaphore_mem>>)
        %dma_wait3A = arith.constant 0 : i32
        %dma_wait3A_38 = tpu.memref_slice %arg15[%arg1, %dma_wait3A] : memref<16x16384xf32, #tpu.memory_space<vmem_shared>> -> memref<1x16384xf32, #tpu.memory_space<vmem_shared>>
        %dma_wait3A_39 = tpu.memref_squeeze %dma_wait3A_38 : memref<1x16384xf32, #tpu.memory_space<vmem_shared>> -> memref<16384xf32, #tpu.memory_space<vmem_shared>>
        %dma_wait3A_40 = arith.constant 0 : i32
        %dma_wait3A_41 = tpu.memref_slice %arg15[%arg1, %dma_wait3A_40] : memref<16x16384xf32, #tpu.memory_space<vmem_shared>> -> memref<1x16384xf32, #tpu.memory_space<vmem_shared>>
        %dma_wait3A_42 = tpu.memref_squeeze %dma_wait3A_41 : memref<1x16384xf32, #tpu.memory_space<vmem_shared>> -> memref<16384xf32, #tpu.memory_space<vmem_shared>>
        tpu.wait_dma2 semaphore(%run_scoped3A_32 : memref<!tpu.dma_semaphore, #tpu.memory_space<semaphore_mem>>) src(%arg9 : memref<16384xf32, #tpu.memory_space<vmem>>) dst(%dma_wait3A_42 : memref<16384xf32, #tpu.memory_space<vmem_shared>>)
        tpu.yield
      }) : () -> ()
      %barrier3A = arith.constant 0 : index
      tpu.barrier barrier_id(%barrier3A)
      %mul3A_15 = arith.constant 1024 : i32
      %mul3A_16 = arith.muli %arg1, %mul3A_15 : i32
      %run_scoped3A = arith.constant 0 : i32
      "tpu.region"() ({
        %run_scoped3A_32 = tpu.sem_alloc : memref<!tpu.dma_semaphore, #tpu.memory_space<semaphore_mem>>
        %dma_start3A = tpu.memref_slice %arg15[%run_scoped3A, %mul3A_16] : memref<16x16384xf32, #tpu.memory_space<vmem_shared>> -> memref<1x1024xf32, #tpu.memory_space<vmem_shared>>
        %dma_start3A_33 = tpu.memref_squeeze %dma_start3A : memref<1x1024xf32, #tpu.memory_space<vmem_shared>> -> memref<1024xf32, #tpu.memory_space<vmem_shared>>
        %dma_start3A_34 = tpu.memref_slice %arg15[%run_scoped3A, %mul3A_16] : memref<16x16384xf32, #tpu.memory_space<vmem_shared>> -> memref<1x1024xf32, #tpu.memory_space<vmem_shared>>
        %dma_start3A_35 = tpu.memref_squeeze %dma_start3A_34 : memref<1x1024xf32, #tpu.memory_space<vmem_shared>> -> memref<1024xf32, #tpu.memory_space<vmem_shared>>
        tpu.enqueue_dma source(%dma_start3A_35 : memref<1024xf32, #tpu.memory_space<vmem_shared>>) target(%arg13 : memref<1024xf32, #tpu.memory_space<vmem>>) target_semaphore(%run_scoped3A_32 : memref<!tpu.dma_semaphore, #tpu.memory_space<semaphore_mem>>)
        %dma_wait3A = tpu.memref_slice %arg15[%run_scoped3A, %mul3A_16] : memref<16x16384xf32, #tpu.memory_space<vmem_shared>> -> memref<1x1024xf32, #tpu.memory_space<vmem_shared>>
        %dma_wait3A_36 = tpu.memref_squeeze %dma_wait3A : memref<1x1024xf32, #tpu.memory_space<vmem_shared>> -> memref<1024xf32, #tpu.memory_space<vmem_shared>>
        %dma_wait3A_37 = tpu.memref_slice %arg15[%run_scoped3A, %mul3A_16] : memref<16x16384xf32, #tpu.memory_space<vmem_shared>> -> memref<1x1024xf32, #tpu.memory_space<vmem_shared>>
        %dma_wait3A_38 = tpu.memref_squeeze %dma_wait3A_37 : memref<1x1024xf32, #tpu.memory_space<vmem_shared>> -> memref<1024xf32, #tpu.memory_space<vmem_shared>>
        tpu.wait_dma2 semaphore(%run_scoped3A_32 : memref<!tpu.dma_semaphore, #tpu.memory_space<semaphore_mem>>) src(%dma_wait3A_38 : memref<1024xf32, #tpu.memory_space<vmem_shared>>) dst(%arg13 : memref<1024xf32, #tpu.memory_space<vmem>>)
        tpu.yield
      }) : () -> ()
      %scan3A_17 = arith.constant 0 : i32
      %scan3A_18 = arith.constant 1 : i32
      %scan3A_19 = arith.constant 15 : i32
      %scan3A_20 = arith.addi %scan3A_18, %scan3A_19 : i32
      %scan3A_21 = arith.constant 1 : i32
      scf.for %scan3A_32 = %scan3A_18 to %scan3A_20 step %scan3A_21  : i32 {
        "tpu.region"() ({
          %run_scoped3A_39 = tpu.sem_alloc : memref<!tpu.dma_semaphore, #tpu.memory_space<semaphore_mem>>
          %dma_start3A = tpu.memref_slice %arg15[%scan3A_32, %mul3A_16] : memref<16x16384xf32, #tpu.memory_space<vmem_shared>> -> memref<1x1024xf32, #tpu.memory_space<vmem_shared>>
          %dma_start3A_40 = tpu.memref_squeeze %dma_start3A : memref<1x1024xf32, #tpu.memory_space<vmem_shared>> -> memref<1024xf32, #tpu.memory_space<vmem_shared>>
          %dma_start3A_41 = tpu.memref_slice %arg15[%scan3A_32, %mul3A_16] : memref<16x16384xf32, #tpu.memory_space<vmem_shared>> -> memref<1x1024xf32, #tpu.memory_space<vmem_shared>>
          %dma_start3A_42 = tpu.memref_squeeze %dma_start3A_41 : memref<1x1024xf32, #tpu.memory_space<vmem_shared>> -> memref<1024xf32, #tpu.memory_space<vmem_shared>>
          tpu.enqueue_dma source(%dma_start3A_42 : memref<1024xf32, #tpu.memory_space<vmem_shared>>) target(%arg14 : memref<1024xf32, #tpu.memory_space<vmem>>) target_semaphore(%run_scoped3A_39 : memref<!tpu.dma_semaphore, #tpu.memory_space<semaphore_mem>>)
          %dma_wait3A = tpu.memref_slice %arg15[%scan3A_32, %mul3A_16] : memref<16x16384xf32, #tpu.memory_space<vmem_shared>> -> memref<1x1024xf32, #tpu.memory_space<vmem_shared>>
          %dma_wait3A_43 = tpu.memref_squeeze %dma_wait3A : memref<1x1024xf32, #tpu.memory_space<vmem_shared>> -> memref<1024xf32, #tpu.memory_space<vmem_shared>>
          %dma_wait3A_44 = tpu.memref_slice %arg15[%scan3A_32, %mul3A_16] : memref<16x16384xf32, #tpu.memory_space<vmem_shared>> -> memref<1x1024xf32, #tpu.memory_space<vmem_shared>>
          %dma_wait3A_45 = tpu.memref_squeeze %dma_wait3A_44 : memref<1x1024xf32, #tpu.memory_space<vmem_shared>> -> memref<1024xf32, #tpu.memory_space<vmem_shared>>
          tpu.wait_dma2 semaphore(%run_scoped3A_39 : memref<!tpu.dma_semaphore, #tpu.memory_space<semaphore_mem>>) src(%dma_wait3A_45 : memref<1024xf32, #tpu.memory_space<vmem_shared>>) dst(%arg14 : memref<1024xf32, #tpu.memory_space<vmem>>)
          tpu.yield
        }) : () -> ()
        %scan3A_33 = arith.constant 0 : i32
        %scan3A_34 = arith.constant 0 : i32
        %scan3A_35 = arith.constant 64 : i32
        %scan3A_36 = arith.addi %scan3A_34, %scan3A_35 : i32
        %scan3A_37 = arith.constant 1 : i32
        scf.for %scan3A_39 = %scan3A_34 to %scan3A_36 step %scan3A_37  : i32 {
          %mul3A_40 = arith.constant 16 : i32
          %mul3A_41 = arith.muli %scan3A_39, %mul3A_40 : i32
          %get3A = arith.index_cast %mul3A_41 : i32 to index
          %get3A_42 = tpu.vector_load %arg13[%get3A] {strides = array<i32>} : memref<1024xf32, #tpu.memory_space<vmem>>, vector<16xf32>,
          %mul3A_43 = arith.constant 16 : i32
          %mul3A_44 = arith.muli %scan3A_39, %mul3A_43 : i32
          %get3A_45 = arith.index_cast %mul3A_44 : i32 to index
          %get3A_46 = tpu.vector_load %arg14[%get3A_45] {strides = array<i32>} : memref<1024xf32, #tpu.memory_space<vmem>>, vector<16xf32>,
          %max3A = arith.maximumf %get3A_42, %get3A_46 : vector<16xf32>
          %mul3A_47 = arith.constant 16 : i32
          %mul3A_48 = arith.muli %scan3A_39, %mul3A_47 : i32
          %swap3A = arith.index_cast %mul3A_48 : i32 to index
          %swap3A_49 = tpu.vector_load %arg13[%swap3A] {strides = array<i32>} : memref<1024xf32, #tpu.memory_space<vmem>>, vector<16xf32>,
          tpu.vector_store %arg13[%swap3A], %max3A {strides = array<i32>} : memref<1024xf32, #tpu.memory_space<vmem>>, vector<16xf32>,
        }
        %scan3A_38 = arith.constant 64 : i32
      }
      %scan3A_22 = arith.constant 15 : i32
      %run_scoped3A_23 = arith.constant 0 : i32
      "tpu.region"() ({
        %run_scoped3A_32 = tpu.sem_alloc : memref<!tpu.dma_semaphore, #tpu.memory_space<semaphore_mem>>
        %dma_start3A = tpu.memref_slice %arg15[%run_scoped3A_23, %mul3A_16] : memref<16x16384xf32, #tpu.memory_space<vmem_shared>> -> memref<1x1024xf32, #tpu.memory_space<vmem_shared>>
        %dma_start3A_33 = tpu.memref_squeeze %dma_start3A : memref<1x1024xf32, #tpu.memory_space<vmem_shared>> -> memref<1024xf32, #tpu.memory_space<vmem_shared>>
        %dma_start3A_34 = tpu.memref_slice %arg15[%run_scoped3A_23, %mul3A_16] : memref<16x16384xf32, #tpu.memory_space<vmem_shared>> -> memref<1x1024xf32, #tpu.memory_space<vmem_shared>>
        %dma_start3A_35 = tpu.memref_squeeze %dma_start3A_34 : memref<1x1024xf32, #tpu.memory_space<vmem_shared>> -> memref<1024xf32, #tpu.memory_space<vmem_shared>>
        tpu.enqueue_dma source(%arg13 : memref<1024xf32, #tpu.memory_space<vmem>>) target(%dma_start3A_35 : memref<1024xf32, #tpu.memory_space<vmem_shared>>) target_semaphore(%run_scoped3A_32 : memref<!tpu.dma_semaphore, #tpu.memory_space<semaphore_mem>>)
        %dma_wait3A = tpu.memref_slice %arg15[%run_scoped3A_23, %mul3A_16] : memref<16x16384xf32, #tpu.memory_space<vmem_shared>> -> memref<1x1024xf32, #tpu.memory_space<vmem_shared>>
        %dma_wait3A_36 = tpu.memref_squeeze %dma_wait3A : memref<1x1024xf32, #tpu.memory_space<vmem_shared>> -> memref<1024xf32, #tpu.memory_space<vmem_shared>>
        %dma_wait3A_37 = tpu.memref_slice %arg15[%run_scoped3A_23, %mul3A_16] : memref<16x16384xf32, #tpu.memory_space<vmem_shared>> -> memref<1x1024xf32, #tpu.memory_space<vmem_shared>>
        %dma_wait3A_38 = tpu.memref_squeeze %dma_wait3A_37 : memref<1x1024xf32, #tpu.memory_space<vmem_shared>> -> memref<1024xf32, #tpu.memory_space<vmem_shared>>
        tpu.wait_dma2 semaphore(%run_scoped3A_32 : memref<!tpu.dma_semaphore, #tpu.memory_space<semaphore_mem>>) src(%arg13 : memref<1024xf32, #tpu.memory_space<vmem>>) dst(%dma_wait3A_38 : memref<1024xf32, #tpu.memory_space<vmem_shared>>)
        tpu.yield
      }) : () -> ()
      %barrier3A_24 = arith.constant 0 : index
      tpu.barrier barrier_id(%barrier3A_24)
      %run_scoped3A_25 = arith.constant 0 : i32
      "tpu.region"() ({
        %run_scoped3A_32 = tpu.sem_alloc : memref<!tpu.dma_semaphore, #tpu.memory_space<semaphore_mem>>
        %dma_start3A = arith.constant 0 : i32
        %dma_start3A_33 = tpu.memref_slice %arg15[%run_scoped3A_25, %dma_start3A] : memref<16x16384xf32, #tpu.memory_space<vmem_shared>> -> memref<1x16384xf32, #tpu.memory_space<vmem_shared>>
        %dma_start3A_34 = tpu.memref_squeeze %dma_start3A_33 : memref<1x16384xf32, #tpu.memory_space<vmem_shared>> -> memref<16384xf32, #tpu.memory_space<vmem_shared>>
        %dma_start3A_35 = arith.constant 0 : i32
        %dma_start3A_36 = tpu.memref_slice %arg15[%run_scoped3A_25, %dma_start3A_35] : memref<16x16384xf32, #tpu.memory_space<vmem_shared>> -> memref<1x16384xf32, #tpu.memory_space<vmem_shared>>
        %dma_start3A_37 = tpu.memref_squeeze %dma_start3A_36 : memref<1x16384xf32, #tpu.memory_space<vmem_shared>> -> memref<16384xf32, #tpu.memory_space<vmem_shared>>
        tpu.enqueue_dma source(%dma_start3A_37 : memref<16384xf32, #tpu.memory_space<vmem_shared>>) target(%arg9 : memref<16384xf32, #tpu.memory_space<vmem>>) target_semaphore(%run_scoped3A_32 : memref<!tpu.dma_semaphore, #tpu.memory_space<semaphore_mem>>)
        %dma_wait3A = arith.constant 0 : i32
        %dma_wait3A_38 = tpu.memref_slice %arg15[%run_scoped3A_25, %dma_wait3A] : memref<16x16384xf32, #tpu.memory_space<vmem_shared>> -> memref<1x16384xf32, #tpu.memory_space<vmem_shared>>
        %dma_wait3A_39 = tpu.memref_squeeze %dma_wait3A_38 : memref<1x16384xf32, #tpu.memory_space<vmem_shared>> -> memref<16384xf32, #tpu.memory_space<vmem_shared>>
        %dma_wait3A_40 = arith.constant 0 : i32
        %dma_wait3A_41 = tpu.memref_slice %arg15[%run_scoped3A_25, %dma_wait3A_40] : memref<16x16384xf32, #tpu.memory_space<vmem_shared>> -> memref<1x16384xf32, #tpu.memory_space<vmem_shared>>
        %dma_wait3A_42 = tpu.memref_squeeze %dma_wait3A_41 : memref<1x16384xf32, #tpu.memory_space<vmem_shared>> -> memref<16384xf32, #tpu.memory_space<vmem_shared>>
        tpu.wait_dma2 semaphore(%run_scoped3A_32 : memref<!tpu.dma_semaphore, #tpu.memory_space<semaphore_mem>>) src(%dma_wait3A_42 : memref<16384xf32, #tpu.memory_space<vmem_shared>>) dst(%arg9 : memref<16384xf32, #tpu.memory_space<vmem>>)
        tpu.yield
      }) : () -> ()
      %scan3A_26 = arith.constant 0 : i32
      %scan3A_27 = arith.constant 0 : i32
      %scan3A_28 = arith.constant 128 : i32
      %scan3A_29 = arith.addi %scan3A_27, %scan3A_28 : i32
      %scan3A_30 = arith.constant 1 : i32
      scf.for %scan3A_32 = %scan3A_27 to %scan3A_29 step %scan3A_30  : i32 {
        %mul3A_33 = arith.constant 16 : i32
        %mul3A_34 = arith.muli %scan3A_32, %mul3A_33 : i32
        %get3A = arith.index_cast %mul3A_34 : i32 to index
        %get3A_35 = tpu.vector_load %arg7[%get3A] {strides = array<i32>} : memref<2048xi32, #tpu.memory_space<vmem>>, vector<16xi32>,
        %gather3A = tpu.vector_load_idx %arg9[%get3A_35] : memref<16384xf32, #tpu.memory_space<vmem>>[vector<16xi32>], vector<16xf32>,
        %mul3A_36 = arith.constant 16 : i32
        %mul3A_37 = arith.muli %scan3A_32, %mul3A_36 : i32
        %swap3A = arith.index_cast %mul3A_37 : i32 to index
        %swap3A_38 = tpu.vector_load %arg11[%swap3A] {strides = array<i32>} : memref<2048xf32, #tpu.memory_space<vmem>>, vector<16xf32>,
        tpu.vector_store %arg11[%swap3A], %gather3A {strides = array<i32>} : memref<2048xf32, #tpu.memory_space<vmem>>, vector<16xf32>,
        %gather3A_39 = tpu.vector_load_idx %arg10[%get3A_35] : memref<16384xf32, #tpu.memory_space<vmem>>[vector<16xi32>], vector<16xf32>,
        %mul3A_40 = arith.constant 16 : i32
        %mul3A_41 = arith.muli %scan3A_32, %mul3A_40 : i32
        %swap3A_42 = arith.index_cast %mul3A_41 : i32 to index
        %swap3A_43 = tpu.vector_load %arg12[%swap3A_42] {strides = array<i32>} : memref<2048xf32, #tpu.memory_space<vmem>>, vector<16xf32>,
        tpu.vector_store %arg12[%swap3A_42], %gather3A_39 {strides = array<i32>} : memref<2048xf32, #tpu.memory_space<vmem>>, vector<16xf32>,
      }
      %scan3A_31 = arith.constant 128 : i32
      "tpu.region"() ({
        %run_scoped3A_32 = tpu.sem_alloc : memref<!tpu.dma_semaphore, #tpu.memory_space<semaphore_mem>>
        %dma_start3A = tpu.memref_slice %arg5[%mul3A_2] : memref<32768xf32, #tpu.memory_space<hbm>> -> memref<2048xf32, #tpu.memory_space<hbm>>
        %dma_start3A_33 = tpu.memref_slice %arg5[%mul3A_2] : memref<32768xf32, #tpu.memory_space<hbm>> -> memref<2048xf32, #tpu.memory_space<hbm>>
        tpu.enqueue_dma source(%arg11 : memref<2048xf32, #tpu.memory_space<vmem>>) target(%dma_start3A_33 : memref<2048xf32, #tpu.memory_space<hbm>>) target_semaphore(%run_scoped3A_32 : memref<!tpu.dma_semaphore, #tpu.memory_space<semaphore_mem>>)
        %dma_wait3A = tpu.memref_slice %arg5[%mul3A_2] : memref<32768xf32, #tpu.memory_space<hbm>> -> memref<2048xf32, #tpu.memory_space<hbm>>
        %dma_wait3A_34 = tpu.memref_slice %arg5[%mul3A_2] : memref<32768xf32, #tpu.memory_space<hbm>> -> memref<2048xf32, #tpu.memory_space<hbm>>
        tpu.wait_dma2 semaphore(%run_scoped3A_32 : memref<!tpu.dma_semaphore, #tpu.memory_space<semaphore_mem>>) src(%arg11 : memref<2048xf32, #tpu.memory_space<vmem>>) dst(%dma_wait3A_34 : memref<2048xf32, #tpu.memory_space<hbm>>)
        tpu.yield
      }) : () -> ()
      "tpu.region"() ({
        %run_scoped3A_32 = tpu.sem_alloc : memref<!tpu.dma_semaphore, #tpu.memory_space<semaphore_mem>>
        %dma_start3A = tpu.memref_slice %arg6[%mul3A_2] : memref<32768xf32, #tpu.memory_space<hbm>> -> memref<2048xf32, #tpu.memory_space<hbm>>
        %dma_start3A_33 = tpu.memref_slice %arg6[%mul3A_2] : memref<32768xf32, #tpu.memory_space<hbm>> -> memref<2048xf32, #tpu.memory_space<hbm>>
        tpu.enqueue_dma source(%arg12 : memref<2048xf32, #tpu.memory_space<vmem>>) target(%dma_start3A_33 : memref<2048xf32, #tpu.memory_space<hbm>>) target_semaphore(%run_scoped3A_32 : memref<!tpu.dma_semaphore, #tpu.memory_space<semaphore_mem>>)
        %dma_wait3A = tpu.memref_slice %arg6[%mul3A_2] : memref<32768xf32, #tpu.memory_space<hbm>> -> memref<2048xf32, #tpu.memory_space<hbm>>
        %dma_wait3A_34 = tpu.memref_slice %arg6[%mul3A_2] : memref<32768xf32, #tpu.memory_space<hbm>> -> memref<2048xf32, #tpu.memory_space<hbm>>
        tpu.wait_dma2 semaphore(%run_scoped3A_32 : memref<!tpu.dma_semaphore, #tpu.memory_space<semaphore_mem>>) src(%arg12 : memref<2048xf32, #tpu.memory_space<vmem>>) dst(%dma_wait3A_34 : memref<2048xf32, #tpu.memory_space<hbm>>)
        tpu.yield
      }) : () -> ()
    } else {
    }
    return
  }
}

module attributes {stable_mosaic.version = 14 : i64} {
  func.func @_topk_kernel(%arg0: i32, %arg1: memref<1x1x1024xf32, #tpu.memory_space<vmem>>, %arg2: memref<1x1x200xf32, #tpu.memory_space<vmem>>, %arg3: memref<1x1x200xi32, #tpu.memory_space<vmem>>) attributes {dimension_semantics = [#tpu.dimension_semantics<arbitrary>], iteration_bounds = array<i64: 32>, scalar_prefetch = 0 : i64, scratch_operands = 0 : i64, tpu.core_type = #tpu.core_type<tc>, window_params = [{transform_indices = @transform_0, window_bounds = array<i64: 1, 1, 1024>}, {transform_indices = @transform_1, window_bounds = array<i64: 1, 1, 200>}, {transform_indices = @transform_2, window_bounds = array<i64: 1, 1, 200>}]} {
    %get3A = arith.constant 0 : index
    %get3A_0 = arith.constant 0 : index
    %get3A_1 = arith.constant 0 : index
    %get3A_2 = vector.load %arg1[%get3A, %get3A_0, %get3A_1] : memref<1x1x1024xf32, #tpu.memory_space<vmem>>, vector<1x1x1024xf32>
    %get3A_3 = vector.shape_cast %get3A_2 : vector<1x1x1024xf32> to vector<1024xf32>
    %iota3A = tpu.iota {dimensions = array<i32: 1>} : vector<1024x1024xi32>
    %iota3A_4 = tpu.iota {dimensions = array<i32: 0>} : vector<1024x1024xi32>
    %broadcast_in_dim3A = vector.shape_cast %get3A_3 : vector<1024xf32> to vector<1024x1xf32>
    %broadcast_in_dim3A_5 = vector.shape_cast %get3A_3 : vector<1024xf32> to vector<1x1024xf32>
    %gt3A = vector.broadcast %broadcast_in_dim3A : vector<1024x1xf32> to vector<1024x1024xf32>
    %gt3A_6 = vector.broadcast %broadcast_in_dim3A_5 : vector<1x1024xf32> to vector<1024x1024xf32>
    %gt3A_7 = arith.cmpf ogt, %gt3A, %gt3A_6 : vector<1024x1024xf32>
    %eq3A = vector.broadcast %broadcast_in_dim3A : vector<1024x1xf32> to vector<1024x1024xf32>
    %eq3A_8 = vector.broadcast %broadcast_in_dim3A_5 : vector<1x1024xf32> to vector<1024x1024xf32>
    %eq3A_9 = arith.cmpf oeq, %eq3A, %eq3A_8 : vector<1024x1024xf32>
    %lt3A = arith.cmpi slt, %iota3A_4, %iota3A : vector<1024x1024xi32>
    %and3A = arith.andi %eq3A_9, %lt3A : vector<1024x1024xi1>
    %or3A = arith.ori %gt3A_7, %and3A : vector<1024x1024xi1>
    %jit3A = arith.constant 1 : i32
    %jit3A_10 = arith.constant 0 : i32
    %broadcast_in_dim3A_11 = vector.broadcast %jit3A : i32 to vector<1024x1024xi32>
    %broadcast_in_dim3A_12 = vector.broadcast %jit3A_10 : i32 to vector<1024x1024xi32>
    %select_n3A = arith.select %or3A, %broadcast_in_dim3A_11, %broadcast_in_dim3A_12 : vector<1024x1024xi1>, vector<1024x1024xi32>
    %reduce_sum3A = arith.constant dense<0> : vector<1024xi32>
    %reduce_sum3A_13 = vector.multi_reduction <add>, %select_n3A, %reduce_sum3A [0] : vector<1024x1024xi32> to vector<1024xi32>
    %iota3A_14 = tpu.iota {dimensions = array<i32: 0>} : vector<200x1024xi32>
    %broadcast_in_dim3A_15 = vector.shape_cast %reduce_sum3A_13 : vector<1024xi32> to vector<1x1024xi32>
    %eq3A_16 = vector.broadcast %broadcast_in_dim3A_15 : vector<1x1024xi32> to vector<200x1024xi32>
    %eq3A_17 = arith.cmpi eq, %eq3A_16, %iota3A_14 : vector<200x1024xi32>
    %broadcast_in_dim3A_18 = vector.shape_cast %get3A_3 : vector<1024xf32> to vector<1x1024xf32>
    %jit3A_19 = arith.constant 0.000000e+00 : f32
    %broadcast_in_dim3A_20 = vector.shape_cast %broadcast_in_dim3A_18 : vector<1x1024xf32> to vector<1x1024xf32>
    %broadcast_in_dim3A_21 = vector.broadcast %broadcast_in_dim3A_20 : vector<1x1024xf32> to vector<200x1024xf32>
    %broadcast_in_dim3A_22 = vector.broadcast %jit3A_19 : f32 to vector<200x1024xf32>
    %select_n3A_23 = arith.select %eq3A_17, %broadcast_in_dim3A_21, %broadcast_in_dim3A_22 : vector<200x1024xi1>, vector<200x1024xf32>
    %reduce_sum3A_24 = arith.constant dense<0.000000e+00> : vector<200xf32>
    %reduce_sum3A_25 = vector.multi_reduction <add>, %select_n3A_23, %reduce_sum3A_24 [1] : vector<200x1024xf32> to vector<200xf32>
    %swap3A = arith.constant 0 : index
    %swap3A_26 = arith.constant 0 : index
    %swap3A_27 = arith.constant 0 : index
    %swap3A_28 = vector.load %arg2[%swap3A, %swap3A_26, %swap3A_27] : memref<1x1x200xf32, #tpu.memory_space<vmem>>, vector<1x1x200xf32>
    %swap3A_29 = vector.shape_cast %swap3A_28 : vector<1x1x200xf32> to vector<200xf32>
    %swap3A_30 = vector.shape_cast %reduce_sum3A_25 : vector<200xf32> to vector<1x1x200xf32>
    tpu.vector_store %arg2[%swap3A, %swap3A_26, %swap3A_27], %swap3A_30 {strides = array<i32>} : memref<1x1x200xf32, #tpu.memory_space<vmem>>, vector<1x1x200xf32>,
    %iota3A_31 = tpu.iota {dimensions = array<i32: 1>} : vector<200x1024xi32>
    %jit3A_32 = arith.constant 0 : i32
    %broadcast_in_dim3A_33 = vector.broadcast %jit3A_32 : i32 to vector<200x1024xi32>
    %select_n3A_34 = arith.select %eq3A_17, %iota3A_31, %broadcast_in_dim3A_33 : vector<200x1024xi1>, vector<200x1024xi32>
    %reduce_sum3A_35 = arith.constant dense<0> : vector<200xi32>
    %reduce_sum3A_36 = vector.multi_reduction <add>, %select_n3A_34, %reduce_sum3A_35 [1] : vector<200x1024xi32> to vector<200xi32>
    %mul3A = arith.constant 1024 : i32
    %mul3A_37 = arith.muli %arg0, %mul3A : i32
    %add3A = vector.broadcast %mul3A_37 : i32 to vector<200xi32>
    %add3A_38 = arith.addi %reduce_sum3A_36, %add3A : vector<200xi32>
    %swap3A_39 = arith.constant 0 : index
    %swap3A_40 = arith.constant 0 : index
    %swap3A_41 = arith.constant 0 : index
    %swap3A_42 = vector.load %arg3[%swap3A_39, %swap3A_40, %swap3A_41] : memref<1x1x200xi32, #tpu.memory_space<vmem>>, vector<1x1x200xi32>
    %swap3A_43 = vector.shape_cast %swap3A_42 : vector<1x1x200xi32> to vector<200xi32>
    %swap3A_44 = vector.shape_cast %add3A_38 : vector<200xi32> to vector<1x1x200xi32>
    tpu.vector_store %arg3[%swap3A_39, %swap3A_40, %swap3A_41], %swap3A_44 {strides = array<i32>} : memref<1x1x200xi32, #tpu.memory_space<vmem>>, vector<1x1x200xi32>,
    return
  }
  func.func @transform_0(%arg0: i32) -> (i32, i32, i32) {
    %c0_i32 = arith.constant 0 : i32
    %c0_i32_0 = arith.constant 0 : i32
    %c0_i32_1 = arith.constant 0 : i32
    return %arg0, %c0_i32, %c0_i32_0 : i32, i32, i32
  }
  func.func @transform_1(%arg0: i32) -> (i32, i32, i32) {
    %c0_i32 = arith.constant 0 : i32
    %c0_i32_0 = arith.constant 0 : i32
    %c0_i32_1 = arith.constant 0 : i32
    return %arg0, %c0_i32, %c0_i32_0 : i32, i32, i32
  }
  func.func @transform_2(%arg0: i32) -> (i32, i32, i32) {
    %c0_i32 = arith.constant 0 : i32
    %c0_i32_0 = arith.constant 0 : i32
    %c0_i32_1 = arith.constant 0 : i32
    return %arg0, %c0_i32, %c0_i32_0 : i32, i32, i32
  }
}

</mosaic_0001>

<sc_bundles>
// kernel: gather_offload_async_start
scs
__scs_entry_jumppad:
0x0: {  	(pc) =	sbr.rel $0x88, $3  }
0x1: {  	(tag) =	ssettag $0x0;
	lr =	simm.s32 $0x1  }
0x2: {  	[smem:$0x3F98] =	sst lr;
	_ =	strace $0xD0000000  }
0x3: {  	_ = 	snop  }
0x4: {  	_ = 	snop  }
0x5: {  	_ = 	snop  }
0x6: {  	_ = 	snop  }
0x7: {  	_ = 	snop  }
__scs_overlays_trampoline_lowered:
0x8: {  	[smem:$0x3FA7] =	sst s0  }
0x9: {  	[smem:$0x3FA8] =	sst s1  }
0xa: {  	[smem:$0x3FA9] =	sst s2  }
0xb: {  	[smem:$0x3FAA] =	sst s3  }
0xc: {  	[smem:$0x3FAB] =	sst s4  }
0xd: {  	[smem:$0x3FAC] =	sst s5  }
0xe: {  	[smem:$0x3FAD] =	sst s6  }
0xf: {  	[smem:$0x3FAE] =	sst s7  }
0x10: {  	[smem:$0x3FAF] =	sst s8  }
0x11: {  	[smem:$0x3FB0] =	sst s9;
	s0 =	simm.s32 @!p0 $0x0  }
0x12: {  	s1 =	sld [smem:$0x3F96];
	s0 =	simm.s32 @p0 $0x1  }
0x13: {  	[smem:$0x3FB1] =	sst s0;
	s0 =	simm.s32 @!p1 $0x0  }
0x14: {  	s2 =	sld [smem:$0x3F95];
	s0 =	simm.s32 @p1 $0x1  }
0x15: {  	[smem:$0x3FB2] =	sst s0;
	s0 =	simm.s32 @!p2 $0x0  }
0x16: {  	s3 =	sld [smem:$0x3FDB];
	s0 =	simm.s32 @p2 $0x1  }
0x17: {  	s4 =	simm.s32 $0x1BF5;
	[smem:$0x3FB4] =	sst s0  }
0x18: {  	s0 =	sld [smem:$0x3F97];
	_ =	swait.ge [sflag:s4], $0x0  }
0x19: {  	s7 =	sld [smem:$0x3F98]  }
0x1a: {  	s8 =	sadd.s32 $0xFFFFE003, lr  }
0x1b: {  	s9 =	sadd.s32 $0xFFFFFEF7, lr;
	s5 =	simm.s32 $0xFFFFFFFF;
	p2 =	slt.u32 s8, $0xFFFFF086  }
0x1c: {  	p1 =	slt.u32 s9, $0xF7A;
	s5 =	simm.s32 @!p2 $0x0  }
0x1d: {  	s5 =	simm.s32 @p1 $0x1;
	p0 =	seq.s32 s7, s2  }
0x1e: {  	s7 =	smul.u32 @!p0 $0xF7A, s2;
	p2 =	seq.s32 @!p0 s5, $0x0  }
0x1f: {  	s9 =	smul.u32 $0xF7A, s1;
	s8 =	simm.s32 @!p0 $0x1BF5;
	p2 =	por !p2, p0  }
0x20: {  	[sflag:s8] =	ssyncset.s32 @!p0 $0xFFFFF086;
	s6 =	sadd.s32 @!p0 s3, s7;
	s7 =	simm.s32 @!p0 $0x108  }
0x21: {  	s3 =	sadd.s32 s3, s9;
	s6 =	sadd.s32 @!p0 $0x88, s6;
	s7 =	simm.s32 @p2 $0x1082  }
0x22: {  	[simem:s7], [sflag:s8] =	dma.local @!p0 [hbm:s6], $0xF7A  }
0x23: {  	s9 =	sor.u32 $0xD0000000, s2;
	s6 =	simm.s32 $0x108;
	_ =	swait.ge @!p0 [sflag:s8], $0x0  }
0x24: {  	s3 =	sadd.s32 $0x88, s3;
	s6 =	simm.s32 @!p1 $0x1082;
	[sflag:s4] =	ssyncset.s32 $0xFFFFF086  }
0x25: {  	[simem:s6], [sflag:s4] =	dma.local [hbm:s3], $0xF7A  }
0x26: {  	[smem:$0x3F98] =	sst s1;
	(tag) =	ssettag s2;
	_ =	strace s9  }
0x27: {  	s1 =	sld [smem:$0x3FA8]  }
0x28: {  	s2 =	sld [smem:$0x3FA9]  }
0x29: {  	s4 =	sld [smem:$0x3FAB]  }
0x2a: {  	p0 =	seq.s32 s5, $0x0;
	s5 =	sld [smem:$0x3FAC]  }
0x2b: {  	s6 =	sld [smem:$0x3FAD]  }
0x2c: {  	s7 =	sld [smem:$0x3FAE]  }
0x2d: {  	s3 =	simm.s32 $0x108;
	s8 =	sld [smem:$0x3FAF]  }
0x2e: {  	s3 =	simm.s32 @!p0 $0x1082;
	s9 =	sld [smem:$0x3FB0]  }
0x2f: {  	lr =	sadd.s32 s0, s3;
	s0 =	sld [smem:$0x3FA7]  }
0x30: {  	s3 =	sld [smem:$0x3FAA]  }
0x31: {  	[smem:$0x3FB3] =	sst s10  }
0x32: {  	s10 =	sld [smem:$0x3FB1];
	_ =	sdelay $0x3  }
0x33: {  	p0 =	seq.s32 s10, $0x1;
	s10 =	sld [smem:$0x3FB3];
	_ =	sdelay $0x3  }
0x34: {  	[smem:$0x3FB3] =	sst s10  }
0x35: {  	s10 =	sld [smem:$0x3FB2];
	_ =	sdelay $0x3  }
0x36: {  	p1 =	seq.s32 s10, $0x1;
	s10 =	sld [smem:$0x3FB3];
	_ =	sdelay $0x3  }
0x37: {  	[smem:$0x3FB3] =	sst s10  }
0x38: {  	s10 =	sld [smem:$0x3FB4]  }
0x39: {  	_ = 	snop;
	(pc) =	sbr.ind lr, $3  }
0x3a: {  	_ = 	snop  }
0x3b: {  	_ = 	snop  }
0x3c: {  	p2 =	seq.s32 s10, $0x1;
	s10 =	sld [smem:$0x3FB3]  }
0x3d: {  	_ =	shalt  }
0x3e: {  	_ =	shalt  }
0x3f: {  	_ =	shalt  }
0x40: {  	_ =	shalt  }
0x41: {  	_ =	shalt  }
0x42: {  	_ =	shalt  }
0x43: {  	_ =	shalt  }
0x44: {  	_ =	shalt  }
0x45: {  	_ =	shalt  }
0x46: {  	_ =	shalt  }
0x47: {  	_ =	shalt  }
0x48: {  	_ =	shalt  }
0x49: {  	_ =	shalt  }
0x4a: {  	_ =	shalt  }
0x4b: {  	_ =	shalt  }
0x4c: {  	_ =	shalt  }
0x4d: {  	_ =	shalt  }
0x4e: {  	_ =	shalt  }
0x4f: {  	_ =	shalt  }
0x50: {  	_ =	shalt  }
0x51: {  	_ =	shalt  }
0x52: {  	_ =	shalt  }
0x53: {  	_ =	shalt  }
0x54: {  	_ =	shalt  }
0x55: {  	_ =	shalt  }
0x56: {  	_ =	shalt  }
0x57: {  	_ =	shalt  }
0x58: {  	_ =	shalt  }
0x59: {  	_ =	shalt  }
0x5a: {  	_ =	shalt  }
0x5b: {  	_ =	shalt  }
0x5c: {  	_ =	shalt  }
0x5d: {  	_ =	shalt  }
0x5e: {  	_ =	shalt  }
0x5f: {  	_ =	shalt  }
0x60: {  	_ =	shalt  }
0x61: {  	_ =	shalt  }
0x62: {  	_ =	shalt  }
0x63: {  	_ =	shalt  }
0x64: {  	_ =	shalt  }
0x65: {  	_ =	shalt  }
0x66: {  	_ =	shalt  }
0x67: {  	_ =	shalt  }
0x68: {  	_ =	shalt  }
0x69: {  	_ =	shalt  }
0x6a: {  	_ =	shalt  }
0x6b: {  	_ =	shalt  }
0x6c: {  	_ =	shalt  }
0x6d: {  	_ =	shalt  }
0x6e: {  	_ =	shalt  }
0x6f: {  	_ =	shalt  }
0x70: {  	_ =	shalt  }
0x71: {  	_ =	shalt  }
0x72: {  	_ =	shalt  }
0x73: {  	_ =	shalt  }
0x74: {  	_ =	shalt  }
0x75: {  	_ =	shalt  }
0x76: {  	_ =	shalt  }
0x77: {  	_ =	shalt  }
0x78: {  	_ =	shalt  }
0x79: {  	_ =	shalt  }
0x7a: {  	_ =	shalt  }
0x7b: {  	_ =	shalt  }
0x7c: {  	_ =	shalt  }
0x7d: {  	_ =	shalt  }
0x7e: {  	_ =	shalt  }
0x7f: {  	_ =	shalt  }
0x80: {  	_ =	shalt  }
0x81: {  	_ =	shalt  }
0x82: {  	_ =	shalt  }
0x83: {  	_ =	shalt  }
0x84: {  	_ =	shalt  }
0x85: {  	_ =	shalt  }
0x86: {  	_ =	shalt  }
0x87: {  	_ =	shalt  }
.Lfunc_end0:
.L_simem_size_0:
called_computation_lowered:
.L_overlay_start_0:
0x88: {  	s2 =	sld [smem:$0x3FD9]  }
0x89: {  	s3 =	sld [smem:$0x3FFE];
	_ =	sdelay $0x1  }
0x8a: {  	s1 =	srdreg.scid  }
0x8b: {  	s0 =	sand.u32 $0x1, s1  }
0x8c: {  	s14 =	sshll.u32 s0, $0xA;
	s2 =	sadd.s32 s3, s2  }
0x8d: {  	s2 =	sadd.s32 s2, s14  }
0x8e: {  	[smem:$0x3FBF] =	sst s2  }
0x8f: {  	_ = 	snop  }
0x90: {  	s2 =	sld [smem:$0x3FD0];
	_ =	sdelay $0x2  }
0x91: {  	s15 =	simm.s32 $0xA;
	s4 =	simm.s32 $0x10  }
0x92: {  	[smem:s4], [sflag:s15] =	dma.local [hbm:s2], $0x1  }
0x93: {  	_ =	swait.eq [sflag:s15], $0x1  }
0x94: {  	[sflag:s15] =	ssyncset.done $0x0  }
0x95: {  	[sflag:s15] =	ssyncadd.s32 $0xFFFFFFFF  }
0x96: {  	s16 =	sld [smem:$0x10];
	(tm) =	ssettm $0x1  }
0x97: {  	s17 =	sld [smem:$0x3FFB];
	_ =	sdelay $0x3  }
0x98: {  	_ =	strace s17  }
0x99: {  	s3 =	sld [smem:$0x3FFC];
	_ =	sdelay $0x3  }
0x9a: {  	_ =	strace s3  }
0x9b: {  	s3 =	sld [smem:$0x3FFD];
	_ =	sdelay $0x3  }
0x9c: {  	_ =	strace s3  }
0x9d: {  	_ =	strace $0x8FFFFFFF  }
0x9e: {  	s18 =	sld [smem:$0x3FDB];
	_ =	sdelay $0x1  }
0x9f: {  	s19 =	simm.s32 $_scs_section_size  }
0xa0: {  	s5 =	simm.s32 $_size__tile_overlayer_lowered;
	s6 =	simm.s32 $_tile_overlayer_lowered  }
0xa1: {  	s22 =	simm.s32 $0x1BFF;
	s21 =	sshll.u32 s6, $0x1;
	s3 =	sadd.s32 s19, s18  }
0xa2: {  	s7 =	simm.s32 $0x0;
	s20 =	sshll.u32 s5, $0x1;
	s5 =	sadd.s32 s21, s3  }
0xa3: {  	[timem:s7], [sflag:s22] =	dma.local [hbm:s5], s20  }
0xa4: {  	_ =	swait.ge [sflag:s22], s20  }
0xa5: {  	s4 =	ssub.s32 $0x0, s20;
	[sflag:s22] =	ssyncset.done $0x0  }
0xa6: {  	[sflag:s22] =	ssyncadd.s32 s4;
	_ =	sdelay $0x1  }
0xa7: {  	s23 =	simm.s32 $0x1B8B  }
0xa8: {  	_ =	swait.ge [sflag:s23], $0x1  }
0xa9: {  	[sflag:s23] =	ssyncset.done $0x0  }
0xaa: {  	s25 =	simm.s32 $0x1B8E;
	s24 =	sld [smem:$0x3FFE];
	[sflag:s23] =	ssyncadd.s32 $0xFFFFFFFF  }
0xab: {  	s26 =	simm.s32 $execute0_lowered;
	[smem:$0x3FD2] =	sst s25  }
0xac: {  	s5 =	sshll.u32 s26, $0x1;
	_ =	strace $0x8000004F;
	[dreg:$0x1] =	wrdreg $0xFFFFFFFF  }
0xad: {  	s28 =	simm.s32 $_size_execute0_lowered;
	s3 =	sadd.s32 s3, s5;
	[dreg:$0x0] =	wrdreg $0x0  }
0xae: {  	s5 =	sshll.u32 s28, $0x1;
	[dreg:$0x2] =	wrdreg s3  }
0xaf: {  	[dreg:$0x3] =	wrdreg s5  }
0xb0: {  	[dreg:$0x4] =	wrdreg $0xC0  }
0xb1: {  	_ =	task [dreg:s7], $0x5FFFF  }
0xb2: {  	[dreg:$0x1] =	wrdreg $0xFFFFFFFF  }
0xb3: {  	[dreg:$0x0] =	wrdreg $0x60  }
0xb4: {  	[dreg:$0x2] =	wrdreg s24  }
0xb5: {  	[dreg:$0x3] =	wrdreg s16  }
0xb6: {  	[dreg:$0x4] =	wrdreg $0x9  }
0xb7: {  	_ =	task.clear_ibuf [dreg:s7], $0x5FFFF;
	_ =	strace $0x9000004F  }
0xb8: {  	s29 =	simm.s32 $0x9;
	_ =	strace $0x80000051  }
0xb9: {  	_ =	swait.ge [sflag:s29], $0x1  }
0xba: {  	[sflag:s29] =	ssyncadd.s32 $0xFFFFFFFF  }
0xbb: {  	_ =	strace $0x90000051  }
0xbc: {  	_ =	sfence  }
0xbd: {  	s30 =	sld [smem:$0x0];
	_ =	sdelay $0x2  }
0xbe: {  	s31 =	sshll.u32 s1, $0xD;
	s1 =	sshrl.u32 s1, $0x2  }
0xbf: {  	s3 =	sand.u32 $0x4000, s31;
	s1 =	sadd.s32 s1, s30  }
0xc0: {  	s0 =	sor.u32 s3, s0;
	s1 =	sshll.u32 s1, $0x11  }
0xc1: {  	s0 =	sor.u32 s1, s0  }
0xc2: {  	s0 =	sadd.s32 $0x8F2B, s0  }
0xc3: {  	[sflag:s0] =	ssyncadd.remote.s32 $0x1  }
0xc4: {  	_ =	sfence.sel $0xFFFF  }
0xc5: {  	[dreg:$0x0] =	wrdreg $0xFFFFFFFF;
	(pc) =	sbr.abs _section_cstart, $3  }
0xc6: {  	[dreg:$0x1] =	wrdreg $0xFFFFFFFF  }
0xc7: {  	_ =	task.clear_ibuf [dreg:s7], $0x2FFFF;
	_ =	strace $0x9FFFFFFF  }
0xc8: {  	(tm) =	ssettm $0x7FFFFFFF  }
0xc9: {  	_ =	shalt  }
tec
execute0_lowered:
.L_overlay_start_1:
0x0: {  	(tag) =	ssettag $0x1  }
0x1: {  	s0 =	srdreg.scid  }
0x2: {  	s1 =	sshll.u32 s0, $0x4  }
0x3: {  	s0 =	stileid.u32;
	s1 =	sand.u32 $0x10, s1  }
0x4: {  	s2 =	sor.u32 s0, s1  }
0x5: {  	s1 =	smin.u32 s2, $0x8  }
0x6: {  	s1 =	sadd.s32 s2, s1  }
0x7: {  	p0 =	slt.u32 s2, $0x8;
	s2 =	simm.s32 $0x140;
	s1 =	smul.u32 $0xA0, s1  }
0x8: {  	s2 =	simm.s32 @!p0 $0xA0  }
0x9: {  	s2 =	sadd.s32 s2, s1  }
0xa: {  	s3 =	smin.u32 s2, $0x1900  }
0xb: {  	s7 =	ssub.s32 s3, s1  }
0xc: {  	p0 =	sgt.s32 s7, $0x0  }
0xd: {  	s7 =	simm.s32 @!p0 $0x0  }
0xe: {  	s9 =	rddreg [dreg:$0x0];
	s31 =	smul.u32 $0xCCCD, s7  }
0xf: {  	s4 =	rddreg [dreg:$0x1];
	s6 =	simm.s32 $0x1  }
0x10: {  	s11 =	simm.s32 $0x3;
	s13 =	simm.s32 $0x0;
	s8 =	sshrl.u32 s31, $0x17  }
0x11: {  	s12 =	simm.s32 $0x0;
	s5 =	sadd.s32 $0x5600, s9;
	s10 =	smul.u32 $0xA0, s8  }
.Ltmp0:
0x12: {  	s9 =	sadd.s32 $0x85600, s9;
	s2 =	rddreg [dreg:$0x2];
	(pc) =	sbr.rel .LBB2_1-.Ltmp0, $4  }
0x13: {  	_ =	strace $0x80000050;
	p0 =	sne.s32 s7, s10;
	s10 =	simm.s32 $0x1  }
0x14: {  	[sflag:s6] =	ssyncpa.u1 $0x0;
	s7 =	simm.s32 $0x2;
	s10 =	simm.s32 @!p0 $0x0  }
0x15: {  	[sflag:s7] =	ssyncpa.u1 $0x0;
	p0 =	por $0x0, $0x0;
	s8 =	sadd.s32 s8, s10  }
0x16: {  	vm0 =	vmmov $0xff;
	vm1 =	vcmask $0x3F20;
	[sflag:s11] =	ssyncpa.u1 $0x0;
	s11 =	smov.u32 s1;
	s10 =	sadd.s32 $0x1, s8  }
.LBB2_6:
0x17: {  	[hbm:s17] =	stream.linear.scatter [tilespmem:s14], [sflag:$0x3], $0x400, $0x38;
	[tilespmem:$0xA140] =	vst v63  }
.LBB2_7:
0x18: {  	s13 =	sadd.s32 $0xA0, s11  }
0x19: {  	s15 =	smov.u32 s1;
	p2 =	slt.s32 s13, s3  }
0x1a: {  	s15 =	smov.u32 @p2 s13;
	p2 =	sne.s32 s12, s10  }
.Ltmp1:
0x1b: {  	p1 =	slt.u32 s12, $0x2;
	(pc) =	sbr.rel @!p2 .LBB2_8-.Ltmp1, $4  }
0x1c: {  	s14 =	simm.s32 @!p1 $0x3  }
0x1d: {  	s16 =	sadd.s32 $0x1, s12;
	_ =	swait.ge @!p1 [sflag:s14], $0x5000  }
0x1e: {  	p0 =	por !p0, !p0;
	s13 =	smov.u32 s11;
	[sflag:s14] =	ssyncset.done @!p1 $0x0  }
0x1f: {  	s12 =	smov.u32 s16;
	s11 =	smov.u32 s15;
	[sflag:s14] =	ssyncadd.s32 @!p1 $0xFFFFB000  }
.LBB2_1:
0x20: {  	p1 =	sge.u32 s12, s8  }
0x21: {  	s14 =	sxor.u32 @!p1 $0xFFFFFFFF, s12  }
0x22: {  	s14 =	sand.u32 @!p1 $0x1, s14  }
0x23: {  	s14 =	smul.u32 @!p1 $0x280, s14  }
0x24: {  	s31 =	sadd.s32 $0xFFFFFFFF, s12;
	s15 =	sshrl.u32 @!p1 s11, $0x3  }
0x25: {  	s16 =	sand.u32 @!p1 $0x7, s11;
	s15 =	sadd.s32 @!p1 s4, s15;
	s14 =	sshrl.u32 @!p1 s14, $0x2  }
0x26: {  	[tilespmem:s14], [sflag:$0x2] =	stream.linear.gather @!p1 [hbm4b:s15+s16], $0xA0, $0x38;
	[tilespmem:$0xA140] =	vst v63  }
0x27: {  	p1 =	sge.u32 s31, s8  }
.Ltmp2:
0x28: {  	_ = 	snop;
	(pc) =	sbr.rel @p1 .LBB2_7-.Ltmp2, $1  }
0x29: {  	_ =	sdelay $0x3  }
0x2a: {  	s14 =	simm.s32 $0x1  }
0x2b: {  	s14 =	simm.s32 @!p0 $0x0  }
0x2c: {  	s15 =	smul.u32 $0x280, s14  }
0x2d: {  	_ =	swait.ge [sflag:s7], $0xA0  }
0x2e: {  	[sflag:s7] =	ssyncset.done $0x0;
	s16 =	sshrl.u32 s15, $0x2  }
0x2f: {  	[sflag:s7] =	ssyncadd.s32 $0xFFFFFF60;
	s15 =	sadd.s32 $0x0, s16  }
0x30: {  	v0 =	vld.msk [tilespmem:s15+$0x0 ss:$0x1], $0xffff;
	_ =	sdelay $0x4  }
0x31: {  	vm2 =	vgt.s32 v0, $0x0  }
0x32: {  	v0 =	vnsel vm2, $0x0, v0  }
0x33: {  	v0 =	vmin.u32 v0, $0x7FFF  }
0x34: {  	v0 =	vshll.u32 v0, $0x4  }
0x35: {  	s14 =	smul.u32 $0x14000, s14;
	_ =	sdelay $0x1  }
0x36: {  	s14 =	sshrl.u32 s14, $0x2  }
0x37: {  	s14 =	sor.u32 $0x140, s14  }
0x38: {  	[tilespmem:s14], [sflag:$0x1] =	stream.indirect_vreg.gather [hbm:s5], $0x80, v0, vm0, $0x38;
	[tilespmem:$0xA140] =	vst v63  }
0x39: {  	s17 =	sadd.s32 $0x10, s16;
	s15 =	sadd.s32 $0x400, s14  }
0x3a: {  	[tilespmem:s15], [sflag:$0x1] =	stream.indirect_vreg.gather [hbm:s5], $0x80, v0, vm1, $0x38;
	[tilespmem:$0xA140] =	vst v63  }
0x3b: {  	s18 =	simm.s32 $0x80;
	v0 =	vld.msk [tilespmem:s17+$0x0 ss:$0x1], $0xffff;
	s17 =	smov.u32 s14  }
.LBB2_3:
0x3c: {  	p1 =	sne.s32 s18, $0x240;
	_ =	sdelay $0x4  }
0x3d: {  	vm2 =	vgt.s32 v0, $0x0  }
0x3e: {  	v0 =	vnsel vm2, $0x0, v0  }
0x3f: {  	v0 =	vmin.u32 v0, $0x7FFF  }
0x40: {  	v0 =	vshll.u32 v0, $0x4;
	_ =	sdelay $0x3  }
.Ltmp3:
0x41: {  	s19 =	sshra.s32 s18, $0x2;
	s17 =	sadd.s32 $0x800, s17;
	(pc) =	sbr.rel @p1 .LBB2_3-.Ltmp3, $4  }
0x42: {  	[tilespmem:s17], [sflag:$0x1] =	stream.indirect_vreg.gather [hbm:s5], $0x80, v0, vm0, $0x38;
	[tilespmem:$0xA140] =	vst v63  }
0x43: {  	s19 =	sadd.s32 s19, s16;
	s20 =	sadd.s32 $0x400, s17  }
0x44: {  	[tilespmem:s20], [sflag:$0x1] =	stream.indirect_vreg.gather [hbm:s5], $0x80, v0, vm1, $0x38;
	[tilespmem:$0xA140] =	vst v63  }
0x45: {  	s18 =	sadd.s32 $0x40, s18;
	v0 =	vld.msk [tilespmem:s19+$0x0 ss:$0x1], $0xffff  }
0x46: {  	_ =	sdelay $0x3  }
0x47: {  	vm2 =	vgt.s32 v0, $0x0  }
0x48: {  	v0 =	vnsel vm2, $0x0, v0  }
0x49: {  	v0 =	vmin.u32 v0, $0x7FFF  }
0x4a: {  	v0 =	vshll.u32 v0, $0x4;
	_ =	sdelay $0x3  }
0x4b: {  	s16 =	sadd.s32 $0x800, s17  }
0x4c: {  	[tilespmem:s16], [sflag:$0x1] =	stream.indirect_vreg.gather [hbm:s5], $0x80, v0, vm0, $0x38;
	[tilespmem:$0xA140] =	vst v63  }
0x4d: {  	s16 =	sadd.s32 $0x400, s16  }
0x4e: {  	[tilespmem:s16], [sflag:$0x1] =	stream.indirect_vreg.gather [hbm:s5], $0x80, v0, vm1, $0x38;
	[tilespmem:$0xA140] =	vst v63  }
0x4f: {  	s13 =	sshll.u32 s13, $0x4;
	_ =	swait.ge [sflag:s6], $0x5000  }
0x50: {  	s13 =	sadd.s32 s13, s9;
	[sflag:s6] =	ssyncset.done $0x0  }
0x51: {  	s17 =	sadd.s32 $0x0, s13;
	s16 =	simm.s32 $0x80;
	[sflag:s6] =	ssyncadd.s32 $0xFFFFB000  }
.LBB2_5:
0x52: {  	[hbm:s17] =	stream.linear.scatter [tilespmem:s14], [sflag:$0x3], $0x400, $0x38;
	[tilespmem:$0xA140] =	vst v63  }
0x53: {  	s17 =	smov.u32 s16;
	s14 =	smov.u32 s15;
	p1 =	sne.s32 s16, $0x980  }
.Ltmp4:
0x54: {  	s16 =	sadd.s32 $0x80, s16;
	(pc) =	sbr.rel @p1 .LBB2_5-.Ltmp4, $2  }
0x55: {  	_ =	sdelay $0x2  }
0x56: {  	s15 =	sadd.s32 $0x400, s15;
	s17 =	sadd.s32 s17, s13  }
.Ltmp5:
0x57: {  	_ = 	snop;
	(pc) =	sbr.rel .LBB2_6-.Ltmp5, $1  }
0x58: {  	_ =	sdelay $0x3  }
.LBB2_8:
0x59: {  	_ =	sfence.sel $0x180000  }
0x5a: {  	s1 =	simm.s32 $0x2;
	[bflag:$0x0] =	sbarrier.arrive $0xFFFF  }
0x5b: {  	s30 =	simm.s32 $0x3;
	[sflag:s1] =	ssyncpa.u1 $0x1  }
0x5c: {  	s31 =	simm.s32 $0x1;
	[sflag:s30] =	ssyncpa.u1 $0x1  }
0x5d: {  	[sflag:s31] =	ssyncpa.u1 $0x1  }
0x5e: {  	p0 =	sne.s32 s0, $0x0;
	_ =	strace $0x90000050  }
0x5f: {  	s0 =	sadd.s32 @!p0 $0x100000, s2;
	[bflag:$0x2] =	sbarrier.arrive $0xFFFF  }
0x60: {  	[sflag:s0] =	ssyncadd.tile.s32 @!p0 $0x1;
	_ =	shalt  }
.Lfunc_end2:
_tile_overlayer_lowered:
.L_overlay_start_2:
0x61: {  	(tag) =	ssettag $0x2  }
0x62: {  	s0 =	rddreg [dreg:$0x0];
	s2 =	stileid.u32  }
0x63: {  	s1 =	rddreg [dreg:$0x1];
	p0 =	sne.s32 s2, $0x0  }
0x64: {  	s3 =	rddreg [dreg:$0x2];
	[bflag:$0x3] =	sbarrier.arrive $0xFFFF;
	s2 =	simm.s32 @!p0 $0x1C01  }
0x65: {  	[timem:s3], [sflag:s2] =	dma.local @!p0 [hbm:s0], s1  }
0x66: {  	s0 =	simm.s32 @!p0 $0x1  }
0x67: {  	_ =	swait.ge @!p0 [sflag:s0], s1  }
0x68: {  	s1 =	ssub.s32 @!p0 $0x0, s1;
	[sflag:s0] =	ssyncset.done @!p0 $0x0  }
0x69: {  	[sflag:s0] =	ssyncadd.s32 @!p0 s1  }
0x6a: {  	[bflag:$0x3] =	sbarrier.arrive $0xFFFF  }
0x6b: {  	_ =	shalt  }

// kernel: kernel.12.cloned.1.call-start
scs
__scs_entry_jumppad:
0x0: {  	(pc) =	sbr.rel $0x88, $3  }
0x1: {  	(tag) =	ssettag $0x0;
	lr =	simm.s32 $0x1  }
0x2: {  	[smem:$0x3F98] =	sst lr;
	_ =	strace $0xD0000000  }
0x3: {  	_ = 	snop  }
0x4: {  	_ = 	snop  }
0x5: {  	_ = 	snop  }
0x6: {  	_ = 	snop  }
0x7: {  	_ = 	snop  }
__scs_overlays_trampoline_lowered:
0x8: {  	[smem:$0x3FA7] =	sst s0  }
0x9: {  	[smem:$0x3FA8] =	sst s1  }
0xa: {  	[smem:$0x3FA9] =	sst s2  }
0xb: {  	[smem:$0x3FAA] =	sst s3  }
0xc: {  	[smem:$0x3FAB] =	sst s4  }
0xd: {  	[smem:$0x3FAC] =	sst s5  }
0xe: {  	[smem:$0x3FAD] =	sst s6  }
0xf: {  	[smem:$0x3FAE] =	sst s7  }
0x10: {  	[smem:$0x3FAF] =	sst s8  }
0x11: {  	[smem:$0x3FB0] =	sst s9;
	s0 =	simm.s32 @!p0 $0x0  }
0x12: {  	s1 =	sld [smem:$0x3F96];
	s0 =	simm.s32 @p0 $0x1  }
0x13: {  	[smem:$0x3FB1] =	sst s0;
	s0 =	simm.s32 @!p1 $0x0  }
0x14: {  	s2 =	sld [smem:$0x3F95];
	s0 =	simm.s32 @p1 $0x1  }
0x15: {  	[smem:$0x3FB2] =	sst s0;
	s0 =	simm.s32 @!p2 $0x0  }
0x16: {  	s3 =	sld [smem:$0x3FDB];
	s0 =	simm.s32 @p2 $0x1  }
0x17: {  	s4 =	simm.s32 $0x1BF5;
	[smem:$0x3FB4] =	sst s0  }
0x18: {  	s0 =	sld [smem:$0x3F97];
	_ =	swait.ge [sflag:s4], $0x0  }
0x19: {  	s7 =	sld [smem:$0x3F98]  }
0x1a: {  	s8 =	sadd.s32 $0xFFFFE003, lr  }
0x1b: {  	s9 =	sadd.s32 $0xFFFFFEF7, lr;
	s5 =	simm.s32 $0xFFFFFFFF;
	p2 =	slt.u32 s8, $0xFFFFF086  }
0x1c: {  	p1 =	slt.u32 s9, $0xF7A;
	s5 =	simm.s32 @!p2 $0x0  }
0x1d: {  	s5 =	simm.s32 @p1 $0x1;
	p0 =	seq.s32 s7, s2  }
0x1e: {  	s7 =	smul.u32 @!p0 $0xF7A, s2;
	p2 =	seq.s32 @!p0 s5, $0x0  }
0x1f: {  	s9 =	smul.u32 $0xF7A, s1;
	s8 =	simm.s32 @!p0 $0x1BF5;
	p2 =	por !p2, p0  }
0x20: {  	[sflag:s8] =	ssyncset.s32 @!p0 $0xFFFFF086;
	s6 =	sadd.s32 @!p0 s3, s7;
	s7 =	simm.s32 @!p0 $0x108  }
0x21: {  	s3 =	sadd.s32 s3, s9;
	s6 =	sadd.s32 @!p0 $0x88, s6;
	s7 =	simm.s32 @p2 $0x1082  }
0x22: {  	[simem:s7], [sflag:s8] =	dma.local @!p0 [hbm:s6], $0xF7A  }
0x23: {  	s9 =	sor.u32 $0xD0000000, s2;
	s6 =	simm.s32 $0x108;
	_ =	swait.ge @!p0 [sflag:s8], $0x0  }
0x24: {  	s3 =	sadd.s32 $0x88, s3;
	s6 =	simm.s32 @!p1 $0x1082;
	[sflag:s4] =	ssyncset.s32 $0xFFFFF086  }
0x25: {  	[simem:s6], [sflag:s4] =	dma.local [hbm:s3], $0xF7A  }
0x26: {  	[smem:$0x3F98] =	sst s1;
	(tag) =	ssettag s2;
	_ =	strace s9  }
0x27: {  	s1 =	sld [smem:$0x3FA8]  }
0x28: {  	s2 =	sld [smem:$0x3FA9]  }
0x29: {  	s4 =	sld [smem:$0x3FAB]  }
0x2a: {  	p0 =	seq.s32 s5, $0x0;
	s5 =	sld [smem:$0x3FAC]  }
0x2b: {  	s6 =	sld [smem:$0x3FAD]  }
0x2c: {  	s7 =	sld [smem:$0x3FAE]  }
0x2d: {  	s3 =	simm.s32 $0x108;
	s8 =	sld [smem:$0x3FAF]  }
0x2e: {  	s3 =	simm.s32 @!p0 $0x1082;
	s9 =	sld [smem:$0x3FB0]  }
0x2f: {  	lr =	sadd.s32 s0, s3;
	s0 =	sld [smem:$0x3FA7]  }
0x30: {  	s3 =	sld [smem:$0x3FAA]  }
0x31: {  	[smem:$0x3FB3] =	sst s10  }
0x32: {  	s10 =	sld [smem:$0x3FB1];
	_ =	sdelay $0x3  }
0x33: {  	p0 =	seq.s32 s10, $0x1;
	s10 =	sld [smem:$0x3FB3];
	_ =	sdelay $0x3  }
0x34: {  	[smem:$0x3FB3] =	sst s10  }
0x35: {  	s10 =	sld [smem:$0x3FB2];
	_ =	sdelay $0x3  }
0x36: {  	p1 =	seq.s32 s10, $0x1;
	s10 =	sld [smem:$0x3FB3];
	_ =	sdelay $0x3  }
0x37: {  	[smem:$0x3FB3] =	sst s10  }
0x38: {  	s10 =	sld [smem:$0x3FB4]  }
0x39: {  	_ = 	snop;
	(pc) =	sbr.ind lr, $3  }
0x3a: {  	_ = 	snop  }
0x3b: {  	_ = 	snop  }
0x3c: {  	p2 =	seq.s32 s10, $0x1;
	s10 =	sld [smem:$0x3FB3]  }
0x3d: {  	_ =	shalt  }
0x3e: {  	_ =	shalt  }
0x3f: {  	_ =	shalt  }
0x40: {  	_ =	shalt  }
0x41: {  	_ =	shalt  }
0x42: {  	_ =	shalt  }
0x43: {  	_ =	shalt  }
0x44: {  	_ =	shalt  }
0x45: {  	_ =	shalt  }
0x46: {  	_ =	shalt  }
0x47: {  	_ =	shalt  }
0x48: {  	_ =	shalt  }
0x49: {  	_ =	shalt  }
0x4a: {  	_ =	shalt  }
0x4b: {  	_ =	shalt  }
0x4c: {  	_ =	shalt  }
0x4d: {  	_ =	shalt  }
0x4e: {  	_ =	shalt  }
0x4f: {  	_ =	shalt  }
0x50: {  	_ =	shalt  }
0x51: {  	_ =	shalt  }
0x52: {  	_ =	shalt  }
0x53: {  	_ =	shalt  }
0x54: {  	_ =	shalt  }
0x55: {  	_ =	shalt  }
0x56: {  	_ =	shalt  }
0x57: {  	_ =	shalt  }
0x58: {  	_ =	shalt  }
0x59: {  	_ =	shalt  }
0x5a: {  	_ =	shalt  }
0x5b: {  	_ =	shalt  }
0x5c: {  	_ =	shalt  }
0x5d: {  	_ =	shalt  }
0x5e: {  	_ =	shalt  }
0x5f: {  	_ =	shalt  }
0x60: {  	_ =	shalt  }
0x61: {  	_ =	shalt  }
0x62: {  	_ =	shalt  }
0x63: {  	_ =	shalt  }
0x64: {  	_ =	shalt  }
0x65: {  	_ =	shalt  }
0x66: {  	_ =	shalt  }
0x67: {  	_ =	shalt  }
0x68: {  	_ =	shalt  }
0x69: {  	_ =	shalt  }
0x6a: {  	_ =	shalt  }
0x6b: {  	_ =	shalt  }
0x6c: {  	_ =	shalt  }
0x6d: {  	_ =	shalt  }
0x6e: {  	_ =	shalt  }
0x6f: {  	_ =	shalt  }
0x70: {  	_ =	shalt  }
0x71: {  	_ =	shalt  }
0x72: {  	_ =	shalt  }
0x73: {  	_ =	shalt  }
0x74: {  	_ =	shalt  }
0x75: {  	_ =	shalt  }
0x76: {  	_ =	shalt  }
0x77: {  	_ =	shalt  }
0x78: {  	_ =	shalt  }
0x79: {  	_ =	shalt  }
0x7a: {  	_ =	shalt  }
0x7b: {  	_ =	shalt  }
0x7c: {  	_ =	shalt  }
0x7d: {  	_ =	shalt  }
0x7e: {  	_ =	shalt  }
0x7f: {  	_ =	shalt  }
0x80: {  	_ =	shalt  }
0x81: {  	_ =	shalt  }
0x82: {  	_ =	shalt  }
0x83: {  	_ =	shalt  }
0x84: {  	_ =	shalt  }
0x85: {  	_ =	shalt  }
0x86: {  	_ =	shalt  }
0x87: {  	_ =	shalt  }
.Lfunc_end0:
.L_simem_size_0:
called_computation.3_lowered:
.L_overlay_start_0:
0x88: {  	s2 =	sld [smem:$0x3FD9]  }
0x89: {  	s3 =	sld [smem:$0x3FFE];
	_ =	sdelay $0x1  }
0x8a: {  	s1 =	srdreg.scid  }
0x8b: {  	s0 =	sand.u32 $0x1, s1  }
0x8c: {  	s14 =	sshll.u32 s0, $0xA;
	s2 =	sadd.s32 s3, s2  }
0x8d: {  	s2 =	sadd.s32 s2, s14  }
0x8e: {  	[smem:$0x3FBF] =	sst s2  }
0x8f: {  	_ = 	snop  }
0x90: {  	s2 =	sld [smem:$0x3FD0];
	_ =	sdelay $0x2  }
0x91: {  	s15 =	simm.s32 $0xA;
	s4 =	simm.s32 $0x10  }
0x92: {  	[smem:s4], [sflag:s15] =	dma.local [hbm:s2], $0x1  }
0x93: {  	_ =	swait.eq [sflag:s15], $0x1  }
0x94: {  	[sflag:s15] =	ssyncset.done $0x0  }
0x95: {  	[sflag:s15] =	ssyncadd.s32 $0xFFFFFFFF  }
0x96: {  	s16 =	sld [smem:$0x10];
	(tm) =	ssettm $0x1  }
0x97: {  	s17 =	sld [smem:$0x3FFB];
	_ =	sdelay $0x3  }
0x98: {  	_ =	strace s17  }
0x99: {  	s3 =	sld [smem:$0x3FFC];
	_ =	sdelay $0x3  }
0x9a: {  	_ =	strace s3  }
0x9b: {  	s3 =	sld [smem:$0x3FFD];
	_ =	sdelay $0x3  }
0x9c: {  	_ =	strace s3  }
0x9d: {  	_ =	strace $0x8FFFFFFF  }
0x9e: {  	s18 =	sld [smem:$0x3FDB];
	_ =	sdelay $0x1  }
0x9f: {  	s19 =	simm.s32 $_scs_section_size  }
0xa0: {  	s5 =	simm.s32 $_size__tile_overlayer_lowered;
	s6 =	simm.s32 $_tile_overlayer_lowered  }
0xa1: {  	s22 =	simm.s32 $0x1BFF;
	s21 =	sshll.u32 s6, $0x1;
	s3 =	sadd.s32 s19, s18  }
0xa2: {  	s7 =	simm.s32 $0x0;
	s20 =	sshll.u32 s5, $0x1;
	s5 =	sadd.s32 s21, s3  }
0xa3: {  	[timem:s7], [sflag:s22] =	dma.local [hbm:s5], s20  }
0xa4: {  	_ =	swait.ge [sflag:s22], s20  }
0xa5: {  	s4 =	ssub.s32 $0x0, s20;
	[sflag:s22] =	ssyncset.done $0x0  }
0xa6: {  	[sflag:s22] =	ssyncadd.s32 s4;
	_ =	sdelay $0x1  }
0xa7: {  	s23 =	simm.s32 $0x1B8B  }
0xa8: {  	_ =	swait.ge [sflag:s23], $0x1  }
0xa9: {  	[sflag:s23] =	ssyncset.done $0x0  }
0xaa: {  	s25 =	simm.s32 $0x1B8E;
	s24 =	sld [smem:$0x3FFE];
	[sflag:s23] =	ssyncadd.s32 $0xFFFFFFFF  }
0xab: {  	s26 =	simm.s32 $execute0_lowered;
	[smem:$0x3FD2] =	sst s25  }
0xac: {  	s5 =	sshll.u32 s26, $0x1;
	_ =	strace $0x8000004C;
	[dreg:$0x1] =	wrdreg $0xFFFFFFFF  }
0xad: {  	s28 =	simm.s32 $_size_execute0_lowered;
	s3 =	sadd.s32 s3, s5;
	[dreg:$0x0] =	wrdreg $0x0  }
0xae: {  	s5 =	sshll.u32 s28, $0x1;
	[dreg:$0x2] =	wrdreg s3  }
0xaf: {  	[dreg:$0x3] =	wrdreg s5  }
0xb0: {  	[dreg:$0x4] =	wrdreg $0xC0  }
0xb1: {  	_ =	task [dreg:s7], $0x5FFFF  }
0xb2: {  	[dreg:$0x1] =	wrdreg $0xFFFFFFFF  }
0xb3: {  	[dreg:$0x0] =	wrdreg $0x60  }
0xb4: {  	[dreg:$0x2] =	wrdreg s24  }
0xb5: {  	[dreg:$0x3] =	wrdreg s16  }
0xb6: {  	[dreg:$0x4] =	wrdreg $0x60000  }
0xb7: {  	[dreg:$0x5] =	wrdreg $0x9  }
0xb8: {  	_ =	task.clear_ibuf [dreg:s7], $0x6FFFF;
	_ =	strace $0x9000004C  }
0xb9: {  	s29 =	simm.s32 $0x9;
	_ =	strace $0x8000004E  }
0xba: {  	_ =	swait.ge [sflag:s29], $0x1  }
0xbb: {  	[sflag:s29] =	ssyncadd.s32 $0xFFFFFFFF  }
0xbc: {  	_ =	strace $0x9000004E  }
0xbd: {  	_ =	sfence  }
0xbe: {  	s30 =	sld [smem:$0x0];
	_ =	sdelay $0x2  }
0xbf: {  	s31 =	sshll.u32 s1, $0xD;
	s1 =	sshrl.u32 s1, $0x2  }
0xc0: {  	s3 =	sand.u32 $0x4000, s31;
	s1 =	sadd.s32 s1, s30  }
0xc1: {  	s0 =	sor.u32 s3, s0;
	s1 =	sshll.u32 s1, $0x11  }
0xc2: {  	s0 =	sor.u32 s1, s0  }
0xc3: {  	s0 =	sadd.s32 $0x8F2B, s0  }
0xc4: {  	[sflag:s0] =	ssyncadd.remote.s32 $0x1  }
0xc5: {  	_ =	sfence.sel $0xFFFF  }
0xc6: {  	[dreg:$0x0] =	wrdreg $0xFFFFFFFF;
	(pc) =	sbr.abs _section_cstart, $3  }
0xc7: {  	[dreg:$0x1] =	wrdreg $0xFFFFFFFF  }
0xc8: {  	_ =	task.clear_ibuf [dreg:s7], $0x2FFFF;
	_ =	strace $0x9FFFFFFF  }
0xc9: {  	(tm) =	ssettm $0x7FFFFFFF  }
tec
execute0_lowered:
.L_overlay_start_1:
0x0: {  	(tag) =	ssettag $0x1  }
0x1: {  	s1 =	srdreg.scid  }
0x2: {  	s1 =	sand.u32 $0x1, s1  }
0x3: {  	p0 =	seq.s32 s1, $0x1  }
.Ltmp0:
0x4: {  	s4 =	rddreg [dreg:$0x0];
	(pc) =	sbr.rel @p0 .LBB2_12-.Ltmp0, $4  }
0x5: {  	s2 =	rddreg [dreg:$0x1]  }
0x6: {  	s3 =	rddreg [dreg:$0x2];
	s6 =	simm.s32 $0x0  }
0x7: {  	[smem:$0x7FF] =	sst s6  }
0x8: {  	s0 =	rddreg [dreg:$0x3];
	_ =	strace $0x8000004D;
	s1 =	stileid.u32  }
0x9: {  	s5 =	sadd.s32 $0x4600, s4;
	s7 =	sshll.u32 s1, $0x8  }
0xa: {  	s8 =	simm.s32 $0x800;
	s26 =	simm.s32 $0x1;
	s5 =	sadd.s32 s5, s7  }
0xb: {  	[tilespmem:s8], [sflag:$0x1] =	stream.linear.gather [hbm4b:s5+s6], $0x800, $0x38;
	[tilespmem:$0xA000] =	vst v63  }
0xc: {  	s28 =	sshll.u32 s1, $0xE;
	_ =	swait.ge [sflag:s26], $0x800  }
0xd: {  	s29 =	sadd.s32 $0x1600, s4;
	s9 =	sshll.u32 s1, $0x7;
	[sflag:s26] =	ssyncset.done $0x0  }
0xe: {  	s31 =	sshll.u32 s1, $0xD;
	s4 =	sadd.s32 s29, s7;
	[sflag:s26] =	ssyncadd.s32 $0xFFFFF800  }
0xf: {  	[tilespmem:s6], [sflag:$0x1] =	stream.linear.gather [hbm4b:s4+s6], $0x800, $0x38;
	[tilespmem:$0xA000] =	vst v63  }
0x10: {  	s30 =	sand.u32 $0x380, s9;
	s5 =	sand.u32 $0x20000, s28;
	_ =	swait.ge [sflag:s26], $0x800  }
0x11: {  	s2 =	sadd.s32 s2, s7;
	s5 =	sadd.s32 s5, s3;
	[sflag:s26] =	ssyncset.done $0x0  }
0x12: {  	v0 =	vimm.f32 $0.0e+00;
	s5 =	sadd.s32 s30, s5;
	s4 =	sadd.s32 s31, s3;
	[sflag:s26] =	ssyncadd.s32 $0xFFFFF800  }
.LBB2_2:
0x13: {  	p0 =	sne.s32 s6, $0xFFC0  }
.Ltmp1:
0x14: {  	_ = 	snop;
	(pc) =	sbr.rel @p0 .LBB2_2-.Ltmp1, $3  }
0x15: {  	_ =	sdelay $0x1  }
0x16: {  	s7 =	sshra.s32 s6, $0x2  }
0x17: {  	s6 =	sadd.s32 $0x40, s6;
	[tilespmem:s7+$0x1000] =	vst v0  }
0x18: {  	s7 =	simm.s32 $0x0  }
0x19: {  	v0 =	vld [tilespmem:s7+$0x0];
	_ =	sdelay $0x6  }
0x1a: {  	s6 =	simm.s32 $0x1000;
	v2 =	vld [tilespmem:s7+$0x800]  }
0x1b: {  	v1 =	vld.idx.msk [tilespmem:v0+s6+$0x0], $0xffff;
	_ =	sdelay $0x4  }
0x1c: {  	v1 =	vadd.f32 v1, v2;
	_ =	sdelay $0x1  }
0x1d: {  	[tilespmem:v0+s6+$0x0] =	vst.idx.msk $0x1, v1  }
0x1e: {  	v1 =	vld.idx.msk [tilespmem:v0+s6+$0x0], $0xffff  }
0x1f: {  	vm0 =	vcmask $0x704;
	_ =	sdelay $0x3  }
0x20: {  	v1 =	vadd.f32 v1, v2;
	_ =	sdelay $0x1  }
0x21: {  	[tilespmem:v0+s6+$0x0] =	vst.idx.msk vm0, v1  }
0x22: {  	v1 =	vld.idx.msk [tilespmem:v0+s6+$0x0], $0xffff  }
0x23: {  	vm1 =	vcmask $0xB08;
	_ =	sdelay $0x3  }
0x24: {  	v1 =	vadd.f32 v1, v2;
	_ =	sdelay $0x1  }
0x25: {  	[tilespmem:v0+s6+$0x0] =	vst.idx.msk vm1, v1  }
0x26: {  	v1 =	vld.idx.msk [tilespmem:v0+s6+$0x0], $0xffff  }
0x27: {  	vm2 =	vcmask $0xF0C;
	_ =	sdelay $0x3  }
0x28: {  	v1 =	vadd.f32 v1, v2;
	_ =	sdelay $0x1  }
0x29: {  	[tilespmem:v0+s6+$0x0] =	vst.idx.msk vm2, v1  }
0x2a: {  	v1 =	vld.idx.msk [tilespmem:v0+s6+$0x0], $0xffff  }
0x2b: {  	vm3 =	vcmask $0x1310;
	_ =	sdelay $0x3  }
0x2c: {  	v1 =	vadd.f32 v1, v2;
	_ =	sdelay $0x1  }
0x2d: {  	[tilespmem:v0+s6+$0x0] =	vst.idx.msk vm3, v1  }
0x2e: {  	v1 =	vld.idx.msk [tilespmem:v0+s6+$0x0], $0xffff  }
0x2f: {  	vm4 =	vcmask $0x1714;
	_ =	sdelay $0x3  }
0x30: {  	v1 =	vadd.f32 v1, v2;
	_ =	sdelay $0x1  }
0x31: {  	[tilespmem:v0+s6+$0x0] =	vst.idx.msk vm4, v1  }
0x32: {  	v1 =	vld.idx.msk [tilespmem:v0+s6+$0x0], $0xffff  }
0x33: {  	vm5 =	vcmask $0x1B18;
	_ =	sdelay $0x3  }
0x34: {  	v1 =	vadd.f32 v1, v2;
	_ =	sdelay $0x1  }
0x35: {  	[tilespmem:v0+s6+$0x0] =	vst.idx.msk vm5, v1  }
0x36: {  	v1 =	vld.idx.msk [tilespmem:v0+s6+$0x0], $0xffff  }
0x37: {  	vm6 =	vcmask $0x1F1C;
	_ =	sdelay $0x3  }
0x38: {  	v1 =	vadd.f32 v1, v2;
	_ =	sdelay $0x1  }
0x39: {  	[tilespmem:v0+s6+$0x0] =	vst.idx.msk vm6, v1  }
0x3a: {  	v1 =	vld.idx.msk [tilespmem:v0+s6+$0x0], $0xffff  }
0x3b: {  	vm7 =	vcmask $0x2320;
	_ =	sdelay $0x3  }
0x3c: {  	v1 =	vadd.f32 v1, v2;
	_ =	sdelay $0x1  }
0x3d: {  	[tilespmem:v0+s6+$0x0] =	vst.idx.msk vm7, v1  }
0x3e: {  	v1 =	vld.idx.msk [tilespmem:v0+s6+$0x0], $0xffff  }
0x3f: {  	vm8 =	vcmask $0x2724;
	_ =	sdelay $0x3  }
0x40: {  	v1 =	vadd.f32 v1, v2;
	_ =	sdelay $0x1  }
0x41: {  	[tilespmem:v0+s6+$0x0] =	vst.idx.msk vm8, v1  }
0x42: {  	v1 =	vld.idx.msk [tilespmem:v0+s6+$0x0], $0xffff  }
0x43: {  	vm9 =	vcmask $0x2B28;
	_ =	sdelay $0x3  }
0x44: {  	v1 =	vadd.f32 v1, v2;
	_ =	sdelay $0x1  }
0x45: {  	[tilespmem:v0+s6+$0x0] =	vst.idx.msk vm9, v1  }
0x46: {  	v1 =	vld.idx.msk [tilespmem:v0+s6+$0x0], $0xffff  }
0x47: {  	vm10 =	vcmask $0x2F2C;
	_ =	sdelay $0x3  }
0x48: {  	v1 =	vadd.f32 v1, v2;
	_ =	sdelay $0x1  }
0x49: {  	[tilespmem:v0+s6+$0x0] =	vst.idx.msk vm10, v1  }
0x4a: {  	v1 =	vld.idx.msk [tilespmem:v0+s6+$0x0], $0xffff  }
0x4b: {  	vm11 =	vcmask $0x3330;
	_ =	sdelay $0x3  }
0x4c: {  	v1 =	vadd.f32 v1, v2;
	_ =	sdelay $0x1  }
0x4d: {  	[tilespmem:v0+s6+$0x0] =	vst.idx.msk vm11, v1  }
0x4e: {  	v1 =	vld.idx.msk [tilespmem:v0+s6+$0x0], $0xffff  }
0x4f: {  	vm12 =	vcmask $0x3734;
	_ =	sdelay $0x3  }
0x50: {  	v1 =	vadd.f32 v1, v2;
	_ =	sdelay $0x1  }
0x51: {  	[tilespmem:v0+s6+$0x0] =	vst.idx.msk vm12, v1  }
0x52: {  	v1 =	vld.idx.msk [tilespmem:v0+s6+$0x0], $0xffff  }
0x53: {  	vm13 =	vcmask $0x3B38;
	_ =	sdelay $0x3  }
0x54: {  	v1 =	vadd.f32 v1, v2;
	_ =	sdelay $0x1  }
0x55: {  	[tilespmem:v0+s6+$0x0] =	vst.idx.msk vm13, v1  }
0x56: {  	v1 =	vld.idx.msk [tilespmem:v0+s6+$0x0], $0xffff  }
0x57: {  	vm14 =	vcmask $0x3F3C;
	_ =	sdelay $0x3  }
0x58: {  	s8 =	simm.s32 $0x80;
	s7 =	simm.s32 $0x40;
	v1 =	vadd.f32 v1, v2  }
.LBB2_4:
0x59: {  	p0 =	sne.s32 s8, $0x1FC0  }
0x5a: {  	s9 =	sshra.s32 s7, $0x2;
	s7 =	smov.u32 s8;
	s8 =	sadd.s32 $0x40, s8;
	[tilespmem:v0+s6+$0x0] =	vst.idx.msk vm14, v1  }
0x5b: {  	v0 =	vld [tilespmem:s9+$0x0];
	_ =	sdelay $0x7  }
0x5c: {  	v2 =	vld.idx.msk [tilespmem:v0+s6+$0x0], $0xffff  }
0x5d: {  	v1 =	vld [tilespmem:s9+$0x800];
	_ =	sdelay $0x4  }
0x5e: {  	v2 =	vadd.f32 v2, v1;
	_ =	sdelay $0x1  }
0x5f: {  	[tilespmem:v0+s6+$0x0] =	vst.idx.msk $0x1, v2  }
0x60: {  	v2 =	vld.idx.msk [tilespmem:v0+s6+$0x0], $0xffff;
	_ =	sdelay $0x5  }
0x61: {  	v2 =	vadd.f32 v2, v1;
	_ =	sdelay $0x1  }
0x62: {  	[tilespmem:v0+s6+$0x0] =	vst.idx.msk vm0, v2  }
0x63: {  	v2 =	vld.idx.msk [tilespmem:v0+s6+$0x0], $0xffff;
	_ =	sdelay $0x5  }
0x64: {  	v2 =	vadd.f32 v2, v1;
	_ =	sdelay $0x1  }
0x65: {  	[tilespmem:v0+s6+$0x0] =	vst.idx.msk vm1, v2  }
0x66: {  	v2 =	vld.idx.msk [tilespmem:v0+s6+$0x0], $0xffff;
	_ =	sdelay $0x5  }
0x67: {  	v2 =	vadd.f32 v2, v1;
	_ =	sdelay $0x1  }
0x68: {  	[tilespmem:v0+s6+$0x0] =	vst.idx.msk vm2, v2  }
0x69: {  	v2 =	vld.idx.msk [tilespmem:v0+s6+$0x0], $0xffff;
	_ =	sdelay $0x5  }
0x6a: {  	v2 =	vadd.f32 v2, v1;
	_ =	sdelay $0x1  }
0x6b: {  	[tilespmem:v0+s6+$0x0] =	vst.idx.msk vm3, v2  }
0x6c: {  	v2 =	vld.idx.msk [tilespmem:v0+s6+$0x0], $0xffff;
	_ =	sdelay $0x5  }
0x6d: {  	v2 =	vadd.f32 v2, v1;
	_ =	sdelay $0x1  }
0x6e: {  	[tilespmem:v0+s6+$0x0] =	vst.idx.msk vm4, v2  }
0x6f: {  	v2 =	vld.idx.msk [tilespmem:v0+s6+$0x0], $0xffff;
	_ =	sdelay $0x5  }
0x70: {  	v2 =	vadd.f32 v2, v1;
	_ =	sdelay $0x1  }
0x71: {  	[tilespmem:v0+s6+$0x0] =	vst.idx.msk vm5, v2  }
0x72: {  	v2 =	vld.idx.msk [tilespmem:v0+s6+$0x0], $0xffff;
	_ =	sdelay $0x5  }
0x73: {  	v2 =	vadd.f32 v2, v1;
	_ =	sdelay $0x1  }
0x74: {  	[tilespmem:v0+s6+$0x0] =	vst.idx.msk vm6, v2  }
0x75: {  	v2 =	vld.idx.msk [tilespmem:v0+s6+$0x0], $0xffff;
	_ =	sdelay $0x5  }
0x76: {  	v2 =	vadd.f32 v2, v1;
	_ =	sdelay $0x1  }
0x77: {  	[tilespmem:v0+s6+$0x0] =	vst.idx.msk vm7, v2  }
0x78: {  	v2 =	vld.idx.msk [tilespmem:v0+s6+$0x0], $0xffff;
	_ =	sdelay $0x5  }
0x79: {  	v2 =	vadd.f32 v2, v1;
	_ =	sdelay $0x1  }
0x7a: {  	[tilespmem:v0+s6+$0x0] =	vst.idx.msk vm8, v2  }
0x7b: {  	v2 =	vld.idx.msk [tilespmem:v0+s6+$0x0], $0xffff;
	_ =	sdelay $0x5  }
0x7c: {  	v2 =	vadd.f32 v2, v1;
	_ =	sdelay $0x1  }
0x7d: {  	[tilespmem:v0+s6+$0x0] =	vst.idx.msk vm9, v2  }
0x7e: {  	v2 =	vld.idx.msk [tilespmem:v0+s6+$0x0], $0xffff;
	_ =	sdelay $0x5  }
0x7f: {  	v2 =	vadd.f32 v2, v1;
	_ =	sdelay $0x1  }
0x80: {  	[tilespmem:v0+s6+$0x0] =	vst.idx.msk vm10, v2  }
0x81: {  	v2 =	vld.idx.msk [tilespmem:v0+s6+$0x0], $0xffff;
	_ =	sdelay $0x5  }
0x82: {  	v2 =	vadd.f32 v2, v1;
	_ =	sdelay $0x1  }
0x83: {  	[tilespmem:v0+s6+$0x0] =	vst.idx.msk vm11, v2  }
0x84: {  	v2 =	vld.idx.msk [tilespmem:v0+s6+$0x0], $0xffff;
	_ =	sdelay $0x5  }
0x85: {  	v2 =	vadd.f32 v2, v1;
	_ =	sdelay $0x1  }
0x86: {  	[tilespmem:v0+s6+$0x0] =	vst.idx.msk vm12, v2  }
0x87: {  	v2 =	vld.idx.msk [tilespmem:v0+s6+$0x0], $0xffff;
	_ =	sdelay $0x5  }
0x88: {  	v2 =	vadd.f32 v2, v1;
	_ =	sdelay $0x1  }
0x89: {  	[tilespmem:v0+s6+$0x0] =	vst.idx.msk vm13, v2  }
0x8a: {  	v2 =	vld.idx.msk [tilespmem:v0+s6+$0x0], $0xffff;
	_ =	sdelay $0x1  }
.Ltmp2:
0x8b: {  	(pc) =	sbr.rel @p0 .LBB2_4-.Ltmp2, $2  }
0x8c: {  	_ =	sdelay $0x2  }
0x8d: {  	v1 =	vadd.f32 v2, v1  }
0x8e: {  	_ =	sdelay $0x4  }
0x8f: {  	s7 =	sshra.s32 s7, $0x2;
	[tilespmem:v0+s6+$0x0] =	vst.idx.msk vm14, v1  }
0x90: {  	v0 =	vld [tilespmem:s7+$0x0];
	_ =	sdelay $0x6  }
0x91: {  	v2 =	vld [tilespmem:s7+$0x800]  }
0x92: {  	v1 =	vld.idx.msk [tilespmem:v0+s6+$0x0], $0xffff;
	_ =	sdelay $0x4  }
0x93: {  	v1 =	vadd.f32 v1, v2;
	_ =	sdelay $0x1  }
0x94: {  	[tilespmem:v0+s6+$0x0] =	vst.idx.msk $0x1, v1  }
0x95: {  	v1 =	vld.idx.msk [tilespmem:v0+s6+$0x0], $0xffff;
	_ =	sdelay $0x4  }
0x96: {  	v1 =	vadd.f32 v1, v2;
	_ =	sdelay $0x1  }
0x97: {  	[tilespmem:v0+s6+$0x0] =	vst.idx.msk vm0, v1  }
0x98: {  	v1 =	vld.idx.msk [tilespmem:v0+s6+$0x0], $0xffff;
	_ =	sdelay $0x4  }
0x99: {  	v1 =	vadd.f32 v1, v2;
	_ =	sdelay $0x1  }
0x9a: {  	[tilespmem:v0+s6+$0x0] =	vst.idx.msk vm1, v1  }
0x9b: {  	v1 =	vld.idx.msk [tilespmem:v0+s6+$0x0], $0xffff;
	_ =	sdelay $0x4  }
0x9c: {  	v1 =	vadd.f32 v1, v2;
	_ =	sdelay $0x1  }
0x9d: {  	[tilespmem:v0+s6+$0x0] =	vst.idx.msk vm2, v1  }
0x9e: {  	v1 =	vld.idx.msk [tilespmem:v0+s6+$0x0], $0xffff;
	_ =	sdelay $0x4  }
0x9f: {  	v1 =	vadd.f32 v1, v2;
	_ =	sdelay $0x1  }
0xa0: {  	[tilespmem:v0+s6+$0x0] =	vst.idx.msk vm3, v1  }
0xa1: {  	v1 =	vld.idx.msk [tilespmem:v0+s6+$0x0], $0xffff;
	_ =	sdelay $0x4  }
0xa2: {  	v1 =	vadd.f32 v1, v2;
	_ =	sdelay $0x1  }
0xa3: {  	[tilespmem:v0+s6+$0x0] =	vst.idx.msk vm4, v1  }
0xa4: {  	v1 =	vld.idx.msk [tilespmem:v0+s6+$0x0], $0xffff;
	_ =	sdelay $0x4  }
0xa5: {  	v1 =	vadd.f32 v1, v2;
	_ =	sdelay $0x1  }
0xa6: {  	[tilespmem:v0+s6+$0x0] =	vst.idx.msk vm5, v1  }
0xa7: {  	v1 =	vld.idx.msk [tilespmem:v0+s6+$0x0], $0xffff;
	_ =	sdelay $0x4  }
0xa8: {  	v1 =	vadd.f32 v1, v2;
	_ =	sdelay $0x1  }
0xa9: {  	[tilespmem:v0+s6+$0x0] =	vst.idx.msk vm6, v1  }
0xaa: {  	v1 =	vld.idx.msk [tilespmem:v0+s6+$0x0], $0xffff;
	_ =	sdelay $0x4  }
0xab: {  	v1 =	vadd.f32 v1, v2;
	_ =	sdelay $0x1  }
0xac: {  	[tilespmem:v0+s6+$0x0] =	vst.idx.msk vm7, v1  }
0xad: {  	v1 =	vld.idx.msk [tilespmem:v0+s6+$0x0], $0xffff;
	_ =	sdelay $0x4  }
0xae: {  	v1 =	vadd.f32 v1, v2;
	_ =	sdelay $0x1  }
0xaf: {  	[tilespmem:v0+s6+$0x0] =	vst.idx.msk vm8, v1  }
0xb0: {  	v1 =	vld.idx.msk [tilespmem:v0+s6+$0x0], $0xffff;
	_ =	sdelay $0x4  }
0xb1: {  	v1 =	vadd.f32 v1, v2;
	_ =	sdelay $0x1  }
0xb2: {  	[tilespmem:v0+s6+$0x0] =	vst.idx.msk vm9, v1  }
0xb3: {  	v1 =	vld.idx.msk [tilespmem:v0+s6+$0x0], $0xffff;
	_ =	sdelay $0x4  }
0xb4: {  	v1 =	vadd.f32 v1, v2;
	_ =	sdelay $0x1  }
0xb5: {  	[tilespmem:v0+s6+$0x0] =	vst.idx.msk vm10, v1  }
0xb6: {  	v1 =	vld.idx.msk [tilespmem:v0+s6+$0x0], $0xffff;
	_ =	sdelay $0x4  }
0xb7: {  	v1 =	vadd.f32 v1, v2;
	_ =	sdelay $0x1  }
0xb8: {  	[tilespmem:v0+s6+$0x0] =	vst.idx.msk vm11, v1  }
0xb9: {  	v1 =	vld.idx.msk [tilespmem:v0+s6+$0x0], $0xffff;
	_ =	sdelay $0x4  }
0xba: {  	v1 =	vadd.f32 v1, v2;
	_ =	sdelay $0x1  }
0xbb: {  	[tilespmem:v0+s6+$0x0] =	vst.idx.msk vm12, v1  }
0xbc: {  	v1 =	vld.idx.msk [tilespmem:v0+s6+$0x0], $0xffff;
	_ =	sdelay $0x4  }
0xbd: {  	v1 =	vadd.f32 v1, v2;
	_ =	sdelay $0x1  }
0xbe: {  	[tilespmem:v0+s6+$0x0] =	vst.idx.msk vm13, v1  }
0xbf: {  	v1 =	vld.idx.msk [tilespmem:v0+s6+$0x0], $0xffff;
	_ =	sdelay $0x4  }
0xc0: {  	v1 =	vadd.f32 v1, v2;
	_ =	sdelay $0x1  }
0xc1: {  	s8 =	simm.s32 $0x1000;
	s7 =	simm.s32 $0x400;
	[tilespmem:v0+s6+$0x0] =	vst.idx.msk vm14, v1;
	s6 =	simm.s32 $0x80  }
0xc2: {  	[spmem:s5] =	stream.strided.scatter [tilespmem:s8], [sflag:$0x1], $0x4000, s7, s6, $0x38;
	[tilespmem:$0xA000] =	vst v63  }
0xc3: {  	s5 =	simm.s32 $0x1  }
0xc4: {  	_ =	swait.ge [sflag:s5], $0x4000  }
0xc5: {  	[sflag:s5] =	ssyncset.done $0x0  }
0xc6: {  	[sflag:s5] =	ssyncadd.s32 $0xFFFFC000  }
0xc7: {  	s31 =	simm.s32 $0x5800;
	[bflag:$0x0] =	sbarrier.arrive $0xFFFF  }
0xc8: {  	[tilespmem:s31], [sflag:$0x1] =	stream.strided.gather [spmem:s4], $0x400, s7, s6, $0x38;
	[tilespmem:$0xA000] =	vst v63  }
0xc9: {  	_ =	swait.ge [sflag:s5], $0x400  }
0xca: {  	[sflag:s5] =	ssyncset.done $0x0  }
0xcb: {  	s9 =	simm.s32 $0x1;
	s8 =	simm.s32 $0x5C00;
	[sflag:s5] =	ssyncadd.s32 $0xFFFFFC00  }
.LBB2_6:
0xcc: {  	s10 =	sshll.u32 s9, $0xE  }
0xcd: {  	s11 =	sshll.u32 s9, $0x7;
	s10 =	sand.u32 $0x20000, s10  }
0xce: {  	s11 =	sand.u32 $0x380, s11;
	s10 =	sadd.s32 s10, s4  }
0xcf: {  	s10 =	sadd.s32 s11, s10  }
0xd0: {  	[tilespmem:s8], [sflag:$0x1] =	stream.strided.gather [spmem:s10], $0x400, s7, s6, $0x38;
	[tilespmem:$0xA000] =	vst v63  }
0xd1: {  	_ =	swait.ge [sflag:s5], $0x400  }
0xd2: {  	[sflag:s5] =	ssyncset.done $0x0  }
0xd3: {  	s10 =	simm.s32 $0x0;
	[sflag:s5] =	ssyncadd.s32 $0xFFFFFC00  }
0xd4: {  	s11 =	simm.s32 $0x40;
	v0 =	vld [tilespmem:s10+$0x5C00]  }
.LBB2_7:
0xd5: {  	p0 =	sne.s32 s11, $0xFC0;
	v1 =	vld [tilespmem:s10+$0x5800];
	_ =	sdelay $0x2  }
.Ltmp3:
0xd6: {  	(pc) =	sbr.rel @p0 .LBB2_7-.Ltmp3, $4  }
0xd7: {  	_ = 	snop  }
0xd8: {  	v1 =	vadd.f32 v0, v1  }
0xd9: {  	s12 =	sshra.s32 s11, $0x2  }
0xda: {  	s11 =	sadd.s32 $0x40, s11;
	v0 =	vld [tilespmem:s12+$0x5C00];
	[tilespmem:s10+$0x5800] =	vst v1;
	s10 =	smov.u32 s12  }
0xdb: {  	v1 =	vld [tilespmem:s10+$0x5800]  }
0xdc: {  	s9 =	sadd.s32 $0x1, s9  }
0xdd: {  	p0 =	sne.s32 s9, $0x10  }
.Ltmp4:
0xde: {  	_ = 	snop;
	(pc) =	sbr.rel @p0 .LBB2_6-.Ltmp4, $3  }
0xdf: {  	_ = 	snop  }
0xe0: {  	v0 =	vadd.f32 v0, v1;
	_ =	sdelay $0x1  }
0xe1: {  	[tilespmem:s10+$0x5800] =	vst v0  }
0xe2: {  	s5 =	simm.s32 $0x80  }
0xe3: {  	s6 =	simm.s32 $0x400;
	s7 =	simm.s32 $0x5800;
	s31 =	simm.s32 $0x1  }
0xe4: {  	[spmem:s4] =	stream.strided.scatter [tilespmem:s7], [sflag:$0x1], $0x400, s6, s5, $0x38;
	[tilespmem:$0xA000] =	vst v63  }
0xe5: {  	_ =	swait.ge [sflag:s31], $0x400  }
0xe6: {  	[sflag:s31] =	ssyncset.done $0x0  }
0xe7: {  	[sflag:s31] =	ssyncadd.s32 $0xFFFFFC00  }
0xe8: {  	s4 =	simm.s32 $0x1000;
	[bflag:$0x0] =	sbarrier.arrive $0xFFFF  }
0xe9: {  	[tilespmem:s4], [sflag:$0x1] =	stream.strided.gather [spmem:s3], $0x4000, s6, s5, $0x38;
	[tilespmem:$0xA000] =	vst v63  }
0xea: {  	_ =	swait.ge [sflag:s31], $0x4000  }
0xeb: {  	[sflag:s31] =	ssyncset.done $0x0  }
0xec: {  	s3 =	simm.s32 $0x0;
	[sflag:s31] =	ssyncadd.s32 $0xFFFFC000  }
0xed: {  	v0 =	vld [tilespmem:s3+$0x0];
	_ =	sdelay $0x7  }
0xee: {  	s5 =	simm.s32 $0x10;
	s6 =	simm.s32 $0x80;
	v0 =	vld.idx.msk [tilespmem:v0+s4+$0x0], $0xffff  }
.LBB2_10:
0xef: {  	p0 =	sne.s32 s6, $0x1FC0;
	v1 =	vld [tilespmem:s5+$0x0];
	_ =	sdelay $0x3  }
.Ltmp5:
0xf0: {  	(pc) =	sbr.rel @p0 .LBB2_10-.Ltmp5, $2  }
0xf1: {  	[tilespmem:s3+$0x5000] =	vst v0;
	s3 =	smov.u32 s5;
	_ =	sdelay $0x2  }
0xf2: {  	s5 =	sshra.s32 s6, $0x2;
	s6 =	sadd.s32 $0x40, s6;
	v0 =	vld.idx.msk [tilespmem:v1+s4+$0x0], $0xffff  }
0xf3: {  	v1 =	vld [tilespmem:s5+$0x0];
	_ =	sdelay $0x6  }
0xf4: {  	[tilespmem:s3+$0x5000] =	vst v0  }
0xf5: {  	v0 =	vld.idx.msk [tilespmem:v1+s4+$0x0], $0xffff;
	_ =	sdelay $0x4  }
0xf6: {  	s29 =	simm.s32 $0x0;
	s30 =	simm.s32 $0x5000;
	s31 =	simm.s32 $0x1;
	[tilespmem:s5+$0x5000] =	vst v0  }
0xf7: {  	[hbm4b:s2+s29] =	stream.linear.scatter [tilespmem:s30], [sflag:$0x1], $0x800, $0x38;
	[tilespmem:$0xA000] =	vst v63  }
0xf8: {  	_ =	swait.ge [sflag:s31], $0x800  }
0xf9: {  	[sflag:s31] =	ssyncset.done $0x0  }
0xfa: {  	[sflag:s31] =	ssyncadd.s32 $0xFFFFF800  }
.LBB2_12:
0xfb: {  	_ =	sfence.sel $0x180000  }
0xfc: {  	[bflag:$0x0] =	sbarrier.arrive $0xFFFF  }
0xfd: {  	p0 =	sne.s32 s1, $0x0;
	_ =	strace $0x9000004D  }
0xfe: {  	s0 =	sadd.s32 @!p0 $0x100000, s0;
	[bflag:$0x2] =	sbarrier.arrive $0xFFFF  }
0xff: {  	[sflag:s0] =	ssyncadd.tile.s32 @!p0 $0x1;
	_ =	shalt  }
.Lfunc_end2:
_tile_overlayer_lowered:
.L_overlay_start_2:
0x100: {  	(tag) =	ssettag $0x2  }
0x101: {  	s0 =	rddreg [dreg:$0x0];
	s2 =	stileid.u32  }
0x102: {  	s1 =	rddreg [dreg:$0x1];
	p0 =	sne.s32 s2, $0x0  }
0x103: {  	s3 =	rddreg [dreg:$0x2];
	[bflag:$0x3] =	sbarrier.arrive $0xFFFF;
	s2 =	simm.s32 @!p0 $0x1C01  }
0x104: {  	[timem:s3], [sflag:s2] =	dma.local @!p0 [hbm:s0], s1  }
0x105: {  	s0 =	simm.s32 @!p0 $0x1  }
0x106: {  	_ =	swait.ge @!p0 [sflag:s0], s1  }
0x107: {  	s1 =	ssub.s32 @!p0 $0x0, s1;
	[sflag:s0] =	ssyncset.done @!p0 $0x0  }
0x108: {  	[sflag:s0] =	ssyncadd.s32 @!p0 s1  }
0x109: {  	[bflag:$0x3] =	sbarrier.arrive $0xFFFF  }
0x10a: {  	_ =	shalt  }

// kernel: kernel.6.cloned.1.call-start
scs
__scs_entry_jumppad:
0x0: {  	(pc) =	sbr.rel $0x88, $3  }
0x1: {  	(tag) =	ssettag $0x0;
	lr =	simm.s32 $0x1  }
0x2: {  	[smem:$0x3F98] =	sst lr;
	_ =	strace $0xD0000000  }
0x3: {  	_ = 	snop  }
0x4: {  	_ = 	snop  }
0x5: {  	_ = 	snop  }
0x6: {  	_ = 	snop  }
0x7: {  	_ = 	snop  }
__scs_overlays_trampoline_lowered:
0x8: {  	[smem:$0x3FA7] =	sst s0  }
0x9: {  	[smem:$0x3FA8] =	sst s1  }
0xa: {  	[smem:$0x3FA9] =	sst s2  }
0xb: {  	[smem:$0x3FAA] =	sst s3  }
0xc: {  	[smem:$0x3FAB] =	sst s4  }
0xd: {  	[smem:$0x3FAC] =	sst s5  }
0xe: {  	[smem:$0x3FAD] =	sst s6  }
0xf: {  	[smem:$0x3FAE] =	sst s7  }
0x10: {  	[smem:$0x3FAF] =	sst s8  }
0x11: {  	[smem:$0x3FB0] =	sst s9;
	s0 =	simm.s32 @!p0 $0x0  }
0x12: {  	s1 =	sld [smem:$0x3F96];
	s0 =	simm.s32 @p0 $0x1  }
0x13: {  	[smem:$0x3FB1] =	sst s0;
	s0 =	simm.s32 @!p1 $0x0  }
0x14: {  	s2 =	sld [smem:$0x3F95];
	s0 =	simm.s32 @p1 $0x1  }
0x15: {  	[smem:$0x3FB2] =	sst s0;
	s0 =	simm.s32 @!p2 $0x0  }
0x16: {  	s3 =	sld [smem:$0x3FDB];
	s0 =	simm.s32 @p2 $0x1  }
0x17: {  	s4 =	simm.s32 $0x1BF5;
	[smem:$0x3FB4] =	sst s0  }
0x18: {  	s0 =	sld [smem:$0x3F97];
	_ =	swait.ge [sflag:s4], $0x0  }
0x19: {  	s7 =	sld [smem:$0x3F98]  }
0x1a: {  	s8 =	sadd.s32 $0xFFFFE003, lr  }
0x1b: {  	s9 =	sadd.s32 $0xFFFFFEF7, lr;
	s5 =	simm.s32 $0xFFFFFFFF;
	p2 =	slt.u32 s8, $0xFFFFF086  }
0x1c: {  	p1 =	slt.u32 s9, $0xF7A;
	s5 =	simm.s32 @!p2 $0x0  }
0x1d: {  	s5 =	simm.s32 @p1 $0x1;
	p0 =	seq.s32 s7, s2  }
0x1e: {  	s7 =	smul.u32 @!p0 $0xF7A, s2;
	p2 =	seq.s32 @!p0 s5, $0x0  }
0x1f: {  	s9 =	smul.u32 $0xF7A, s1;
	s8 =	simm.s32 @!p0 $0x1BF5;
	p2 =	por !p2, p0  }
0x20: {  	[sflag:s8] =	ssyncset.s32 @!p0 $0xFFFFF086;
	s6 =	sadd.s32 @!p0 s3, s7;
	s7 =	simm.s32 @!p0 $0x108  }
0x21: {  	s3 =	sadd.s32 s3, s9;
	s6 =	sadd.s32 @!p0 $0x88, s6;
	s7 =	simm.s32 @p2 $0x1082  }
0x22: {  	[simem:s7], [sflag:s8] =	dma.local @!p0 [hbm:s6], $0xF7A  }
0x23: {  	s9 =	sor.u32 $0xD0000000, s2;
	s6 =	simm.s32 $0x108;
	_ =	swait.ge @!p0 [sflag:s8], $0x0  }
0x24: {  	s3 =	sadd.s32 $0x88, s3;
	s6 =	simm.s32 @!p1 $0x1082;
	[sflag:s4] =	ssyncset.s32 $0xFFFFF086  }
0x25: {  	[simem:s6], [sflag:s4] =	dma.local [hbm:s3], $0xF7A  }
0x26: {  	[smem:$0x3F98] =	sst s1;
	(tag) =	ssettag s2;
	_ =	strace s9  }
0x27: {  	s1 =	sld [smem:$0x3FA8]  }
0x28: {  	s2 =	sld [smem:$0x3FA9]  }
0x29: {  	s4 =	sld [smem:$0x3FAB]  }
0x2a: {  	p0 =	seq.s32 s5, $0x0;
	s5 =	sld [smem:$0x3FAC]  }
0x2b: {  	s6 =	sld [smem:$0x3FAD]  }
0x2c: {  	s7 =	sld [smem:$0x3FAE]  }
0x2d: {  	s3 =	simm.s32 $0x108;
	s8 =	sld [smem:$0x3FAF]  }
0x2e: {  	s3 =	simm.s32 @!p0 $0x1082;
	s9 =	sld [smem:$0x3FB0]  }
0x2f: {  	lr =	sadd.s32 s0, s3;
	s0 =	sld [smem:$0x3FA7]  }
0x30: {  	s3 =	sld [smem:$0x3FAA]  }
0x31: {  	[smem:$0x3FB3] =	sst s10  }
0x32: {  	s10 =	sld [smem:$0x3FB1];
	_ =	sdelay $0x3  }
0x33: {  	p0 =	seq.s32 s10, $0x1;
	s10 =	sld [smem:$0x3FB3];
	_ =	sdelay $0x3  }
0x34: {  	[smem:$0x3FB3] =	sst s10  }
0x35: {  	s10 =	sld [smem:$0x3FB2];
	_ =	sdelay $0x3  }
0x36: {  	p1 =	seq.s32 s10, $0x1;
	s10 =	sld [smem:$0x3FB3];
	_ =	sdelay $0x3  }
0x37: {  	[smem:$0x3FB3] =	sst s10  }
0x38: {  	s10 =	sld [smem:$0x3FB4]  }
0x39: {  	_ = 	snop;
	(pc) =	sbr.ind lr, $3  }
0x3a: {  	_ = 	snop  }
0x3b: {  	_ = 	snop  }
0x3c: {  	p2 =	seq.s32 s10, $0x1;
	s10 =	sld [smem:$0x3FB3]  }
0x3d: {  	_ =	shalt  }
0x3e: {  	_ =	shalt  }
0x3f: {  	_ =	shalt  }
0x40: {  	_ =	shalt  }
0x41: {  	_ =	shalt  }
0x42: {  	_ =	shalt  }
0x43: {  	_ =	shalt  }
0x44: {  	_ =	shalt  }
0x45: {  	_ =	shalt  }
0x46: {  	_ =	shalt  }
0x47: {  	_ =	shalt  }
0x48: {  	_ =	shalt  }
0x49: {  	_ =	shalt  }
0x4a: {  	_ =	shalt  }
0x4b: {  	_ =	shalt  }
0x4c: {  	_ =	shalt  }
0x4d: {  	_ =	shalt  }
0x4e: {  	_ =	shalt  }
0x4f: {  	_ =	shalt  }
0x50: {  	_ =	shalt  }
0x51: {  	_ =	shalt  }
0x52: {  	_ =	shalt  }
0x53: {  	_ =	shalt  }
0x54: {  	_ =	shalt  }
0x55: {  	_ =	shalt  }
0x56: {  	_ =	shalt  }
0x57: {  	_ =	shalt  }
0x58: {  	_ =	shalt  }
0x59: {  	_ =	shalt  }
0x5a: {  	_ =	shalt  }
0x5b: {  	_ =	shalt  }
0x5c: {  	_ =	shalt  }
0x5d: {  	_ =	shalt  }
0x5e: {  	_ =	shalt  }
0x5f: {  	_ =	shalt  }
0x60: {  	_ =	shalt  }
0x61: {  	_ =	shalt  }
0x62: {  	_ =	shalt  }
0x63: {  	_ =	shalt  }
0x64: {  	_ =	shalt  }
0x65: {  	_ =	shalt  }
0x66: {  	_ =	shalt  }
0x67: {  	_ =	shalt  }
0x68: {  	_ =	shalt  }
0x69: {  	_ =	shalt  }
0x6a: {  	_ =	shalt  }
0x6b: {  	_ =	shalt  }
0x6c: {  	_ =	shalt  }
0x6d: {  	_ =	shalt  }
0x6e: {  	_ =	shalt  }
0x6f: {  	_ =	shalt  }
0x70: {  	_ =	shalt  }
0x71: {  	_ =	shalt  }
0x72: {  	_ =	shalt  }
0x73: {  	_ =	shalt  }
0x74: {  	_ =	shalt  }
0x75: {  	_ =	shalt  }
0x76: {  	_ =	shalt  }
0x77: {  	_ =	shalt  }
0x78: {  	_ =	shalt  }
0x79: {  	_ =	shalt  }
0x7a: {  	_ =	shalt  }
0x7b: {  	_ =	shalt  }
0x7c: {  	_ =	shalt  }
0x7d: {  	_ =	shalt  }
0x7e: {  	_ =	shalt  }
0x7f: {  	_ =	shalt  }
0x80: {  	_ =	shalt  }
0x81: {  	_ =	shalt  }
0x82: {  	_ =	shalt  }
0x83: {  	_ =	shalt  }
0x84: {  	_ =	shalt  }
0x85: {  	_ =	shalt  }
0x86: {  	_ =	shalt  }
0x87: {  	_ =	shalt  }
.Lfunc_end0:
.L_simem_size_0:
called_computation.1_lowered:
.L_overlay_start_0:
0x88: {  	s2 =	sld [smem:$0x3FD9]  }
0x89: {  	s3 =	sld [smem:$0x3FFE];
	_ =	sdelay $0x1  }
0x8a: {  	s1 =	srdreg.scid  }
0x8b: {  	s0 =	sand.u32 $0x1, s1  }
0x8c: {  	s14 =	sshll.u32 s0, $0xA;
	s2 =	sadd.s32 s3, s2  }
0x8d: {  	s2 =	sadd.s32 s2, s14  }
0x8e: {  	[smem:$0x3FBF] =	sst s2  }
0x8f: {  	_ = 	snop  }
0x90: {  	s2 =	sld [smem:$0x3FD0];
	_ =	sdelay $0x2  }
0x91: {  	s4 =	simm.s32 $0xA;
	s5 =	simm.s32 $0x10;
	s15 =	sld [smem:$0x3FC7]  }
0x92: {  	[smem:s5], [sflag:s4] =	dma.local [hbm:s2], $0x1  }
0x93: {  	_ =	swait.eq [sflag:s4], $0x1  }
0x94: {  	[sflag:s4] =	ssyncset.done $0x0  }
0x95: {  	[sflag:s4] =	ssyncadd.s32 $0xFFFFFFFF  }
0x96: {  	s16 =	sld [smem:$0x10];
	(tm) =	ssettm $0x1  }
0x97: {  	s17 =	sld [smem:$0x3FFB];
	_ =	sdelay $0x3  }
0x98: {  	_ =	strace s17  }
0x99: {  	s4 =	sld [smem:$0x3FFC];
	_ =	sdelay $0x3  }
0x9a: {  	_ =	strace s4  }
0x9b: {  	s4 =	sld [smem:$0x3FFD];
	_ =	sdelay $0x3  }
0x9c: {  	_ =	strace s4  }
0x9d: {  	_ =	strace $0x8FFFFFFF  }
0x9e: {  	s18 =	sld [smem:$0x3FDB];
	_ =	sdelay $0x1  }
0x9f: {  	s19 =	simm.s32 $_scs_section_size  }
0xa0: {  	s6 =	simm.s32 $_size__tile_overlayer_lowered;
	s7 =	simm.s32 $_tile_overlayer_lowered  }
0xa1: {  	s22 =	simm.s32 $0x1BFF;
	s21 =	sshll.u32 s7, $0x1;
	s4 =	sadd.s32 s19, s18  }
0xa2: {  	s8 =	simm.s32 $0x0;
	s20 =	sshll.u32 s6, $0x1;
	s6 =	sadd.s32 s21, s4  }
0xa3: {  	[timem:s8], [sflag:s22] =	dma.local [hbm:s6], s20  }
0xa4: {  	_ =	swait.ge [sflag:s22], s20  }
0xa5: {  	s5 =	ssub.s32 $0x0, s20;
	[sflag:s22] =	ssyncset.done $0x0  }
0xa6: {  	[sflag:s22] =	ssyncadd.s32 s5;
	_ =	sdelay $0x1  }
0xa7: {  	s23 =	simm.s32 $0x1B8B  }
0xa8: {  	_ =	swait.ge [sflag:s23], $0x1  }
0xa9: {  	[sflag:s23] =	ssyncset.done $0x0  }
0xaa: {  	s25 =	simm.s32 $0x1B8E;
	s24 =	sld [smem:$0x3FFE];
	[sflag:s23] =	ssyncadd.s32 $0xFFFFFFFF  }
0xab: {  	s26 =	simm.s32 $execute0_lowered;
	[smem:$0x3FD2] =	sst s25  }
0xac: {  	s6 =	sshll.u32 s26, $0x1;
	_ =	strace $0x80000046;
	[dreg:$0x1] =	wrdreg $0xFFFFFFFF  }
0xad: {  	s28 =	simm.s32 $_size_execute0_lowered;
	s4 =	sadd.s32 s4, s6;
	[dreg:$0x0] =	wrdreg $0x0  }
0xae: {  	s6 =	sshll.u32 s28, $0x1;
	[dreg:$0x2] =	wrdreg s4  }
0xaf: {  	[dreg:$0x3] =	wrdreg s6  }
0xb0: {  	[dreg:$0x4] =	wrdreg $0xC0  }
0xb1: {  	_ =	task [dreg:s8], $0x5FFFF  }
0xb2: {  	[dreg:$0x1] =	wrdreg $0xFFFFFFFF  }
0xb3: {  	[dreg:$0x0] =	wrdreg $0x60  }
0xb4: {  	[dreg:$0x2] =	wrdreg s15  }
0xb5: {  	[dreg:$0x3] =	wrdreg s24  }
0xb6: {  	[dreg:$0x4] =	wrdreg s16  }
0xb7: {  	[dreg:$0x5] =	wrdreg $0x9  }
0xb8: {  	_ =	task.clear_ibuf [dreg:s8], $0x6FFFF;
	_ =	strace $0x90000046  }
0xb9: {  	s29 =	simm.s32 $0x9;
	_ =	strace $0x80000048  }
0xba: {  	_ =	swait.ge [sflag:s29], $0x1  }
0xbb: {  	[sflag:s29] =	ssyncadd.s32 $0xFFFFFFFF  }
0xbc: {  	_ =	strace $0x90000048  }
0xbd: {  	_ =	sfence  }
0xbe: {  	s30 =	sld [smem:$0x0];
	_ =	sdelay $0x2  }
0xbf: {  	s31 =	sshll.u32 s1, $0xD;
	s1 =	sshrl.u32 s1, $0x2  }
0xc0: {  	s3 =	sand.u32 $0x4000, s31;
	s1 =	sadd.s32 s1, s30  }
0xc1: {  	s0 =	sor.u32 s3, s0;
	s1 =	sshll.u32 s1, $0x11  }
0xc2: {  	s0 =	sor.u32 s1, s0  }
0xc3: {  	s0 =	sadd.s32 $0x8F2B, s0  }
0xc4: {  	[sflag:s0] =	ssyncadd.remote.s32 $0x1  }
0xc5: {  	_ =	sfence.sel $0xFFFF  }
0xc6: {  	[dreg:$0x0] =	wrdreg $0xFFFFFFFF;
	(pc) =	sbr.abs _section_cstart, $3  }
0xc7: {  	[dreg:$0x1] =	wrdreg $0xFFFFFFFF  }
0xc8: {  	_ =	task.clear_ibuf [dreg:s8], $0x2FFFF;
	_ =	strace $0x9FFFFFFF  }
0xc9: {  	(tm) =	ssettm $0x7FFFFFFF  }
tec
execute0_lowered:
.L_overlay_start_1:
0x0: {  	(tag) =	ssettag $0x1  }
0x1: {  	s1 =	rddreg [dreg:$0x0];
	s2 =	srdreg.scid  }
0x2: {  	s12 =	rddreg [dreg:$0x1];
	s0 =	stileid.u32;
	s14 =	sand.u32 $0x1, s2  }
0x3: {  	s13 =	rddreg [dreg:$0x2];
	s4 =	sshll.u32 s0, $0xB;
	s5 =	sshll.u32 s14, $0xA  }
0x4: {  	s3 =	simm.s32 $0x0;
	s2 =	rddreg [dreg:$0x3];
	s9 =	sor.u32 s5, s4  }
0x5: {  	[smem:$0x7FF] =	sst s3;
	s10 =	sadd.s32 $0x1600, s12;
	s11 =	sshrl.u32 s9, $0x3  }
0x6: {  	_ =	strace $0x80000047;
	s4 =	simm.s32 $0x2;
	s5 =	sadd.s32 s10, s11  }
0x7: {  	[tilespmem:s3], [sflag:$0x2] =	stream.linear.gather [hbm4b:s5+s3], $0x200, $0x38;
	[tilespmem:$0x10200] =	vst v63  }
0x8: {  	_ =	swait.ge [sflag:s4], $0x200  }
0x9: {  	[sflag:s4] =	ssyncset.done $0x0  }
0xa: {  	s6 =	simm.s32 $0x200;
	s7 =	simm.s32 $0x1;
	[sflag:s4] =	ssyncadd.s32 $0xFFFFFE00  }
0xb: {  	[tilespmem:s6], [sflag:$0x1] =	stream.indirect.gather [hbm4b:s1+s6], $0x80, s3, s6, $0xb8;
	[tilespmem:$0x10200] =	vst v63  }
0xc: {  	_ =	swait.ge [sflag:s7], $0x10000  }
0xd: {  	s15 =	sadd.s32 $0x2600, s12;
	s16 =	sshll.u32 s9, $0x4;
	[sflag:s7] =	ssyncset.done $0x0  }
0xe: {  	s8 =	sadd.s32 s15, s16;
	[sflag:s7] =	ssyncadd.s32 $0xFFFF0000  }
0xf: {  	[hbm4b:s8+s3] =	stream.linear.scatter [tilespmem:s6], [sflag:$0x2], $0x10000, $0x38;
	[tilespmem:$0x10200] =	vst v63  }
0x10: {  	s17 =	sor.u32 $0x200, s9;
	_ =	swait.ge [sflag:s4], $0x10000  }
0x11: {  	s18 =	sshrl.u32 s17, $0x3;
	[sflag:s4] =	ssyncset.done $0x0  }
0x12: {  	s9 =	sadd.s32 s10, s18;
	[sflag:s4] =	ssyncadd.s32 $0xFFFF0000  }
0x13: {  	[tilespmem:s3], [sflag:$0x2] =	stream.linear.gather [hbm4b:s9+s3], $0x200, $0x38;
	[tilespmem:$0x10200] =	vst v63  }
0x14: {  	_ =	swait.ge [sflag:s4], $0x200  }
0x15: {  	[sflag:s4] =	ssyncset.done $0x0  }
0x16: {  	[sflag:s4] =	ssyncadd.s32 $0xFFFFFE00  }
0x17: {  	[tilespmem:s6], [sflag:$0x1] =	stream.indirect.gather [hbm4b:s1+s6], $0x80, s3, s6, $0xb8;
	[tilespmem:$0x10200] =	vst v63  }
0x18: {  	_ =	swait.ge [sflag:s7], $0x10000  }
0x19: {  	s17 =	sshll.u32 s17, $0x4;
	[sflag:s7] =	ssyncset.done $0x0  }
0x1a: {  	s10 =	sadd.s32 s15, s17;
	[sflag:s7] =	ssyncadd.s32 $0xFFFF0000  }
0x1b: {  	[hbm4b:s10+s3] =	stream.linear.scatter [tilespmem:s6], [sflag:$0x2], $0x10000, $0x38;
	[tilespmem:$0x10200] =	vst v63  }
0x1c: {  	_ =	swait.ge [sflag:s4], $0x10000  }
0x1d: {  	[sflag:s4] =	ssyncset.done $0x0  }
0x1e: {  	s11 =	sadd.s32 s13, s11;
	[sflag:s4] =	ssyncadd.s32 $0xFFFF0000  }
0x1f: {  	[tilespmem:s3], [sflag:$0x2] =	stream.linear.gather [hbm4b:s11+s3], $0x200, $0x38;
	[tilespmem:$0x10200] =	vst v63  }
0x20: {  	_ =	swait.ge [sflag:s4], $0x200  }
0x21: {  	[sflag:s4] =	ssyncset.done $0x0  }
0x22: {  	[sflag:s4] =	ssyncadd.s32 $0xFFFFFE00  }
0x23: {  	[tilespmem:s6], [sflag:$0x1] =	stream.indirect.gather [hbm4b:s1+s6], $0x80, s3, s6, $0xb8;
	[tilespmem:$0x10200] =	vst v63  }
0x24: {  	_ =	swait.ge [sflag:s7], $0x10000  }
0x25: {  	s29 =	sadd.s32 $0x82600, s12;
	[sflag:s7] =	ssyncset.done $0x0  }
0x26: {  	s12 =	sadd.s32 s29, s16;
	[sflag:s7] =	ssyncadd.s32 $0xFFFF0000  }
0x27: {  	[hbm4b:s12+s3] =	stream.linear.scatter [tilespmem:s6], [sflag:$0x2], $0x10000, $0x38;
	[tilespmem:$0x10200] =	vst v63  }
0x28: {  	_ =	swait.ge [sflag:s4], $0x10000  }
0x29: {  	[sflag:s4] =	ssyncset.done $0x0  }
0x2a: {  	s14 =	ssub.s32 $0x2, s14;
	s13 =	sadd.s32 s13, s18;
	[sflag:s4] =	ssyncadd.s32 $0xFFFF0000  }
0x2b: {  	[tilespmem:s3], [sflag:$0x2] =	stream.linear.gather [hbm4b:s13+s3], $0x200, $0x38;
	[tilespmem:$0x10200] =	vst v63  }
0x2c: {  	s30 =	sshrl.u32 s14, $0x1;
	_ =	swait.ge [sflag:s4], $0x200  }
0x2d: {  	s16 =	ssub.s32 s14, s30;
	[sflag:s4] =	ssyncset.done $0x0  }
0x2e: {  	s31 =	smax.u32 s16, $0x1;
	[sflag:s4] =	ssyncadd.s32 $0xFFFFFE00  }
0x2f: {  	[tilespmem:s6], [sflag:$0x1] =	stream.indirect.gather [hbm4b:s1+s6], $0x80, s3, s6, $0xb8;
	[tilespmem:$0x10200] =	vst v63  }
0x30: {  	p0 =	sne.s32 s31, $0x1;
	_ =	swait.ge [sflag:s7], $0x10000  }
.Ltmp0:
0x31: {  	[sflag:s7] =	ssyncset.done $0x0;
	(pc) =	sbr.rel @!p0 .LBB2_2-.Ltmp0, $4  }
0x32: {  	s14 =	sadd.s32 s29, s17;
	[sflag:s7] =	ssyncadd.s32 $0xFFFF0000  }
0x33: {  	[hbm4b:s14+s3] =	stream.linear.scatter [tilespmem:s6], [sflag:$0x2], $0x10000, $0x38;
	[tilespmem:$0x10200] =	vst v63  }
0x34: {  	_ =	swait.ge [sflag:s4], $0x10000  }
0x35: {  	s15 =	sadd.s32 $0xFFFFFFFF, s31;
	[sflag:s4] =	ssyncset.done $0x0  }
.LBB2_1:
0x36: {  	p0 =	sne.s32 s15, $0x1;
	s15 =	sadd.s32 $0xFFFFFFFF, s15;
	[sflag:s4] =	ssyncadd.s32 $0xFFFF0000  }
0x37: {  	[tilespmem:s3], [sflag:$0x2] =	stream.linear.gather [hbm4b:s5+s3], $0x200, $0x38;
	[tilespmem:$0x10200] =	vst v63  }
0x38: {  	_ =	swait.ge [sflag:s4], $0x200  }
0x39: {  	[sflag:s4] =	ssyncset.done $0x0  }
0x3a: {  	[sflag:s4] =	ssyncadd.s32 $0xFFFFFE00  }
0x3b: {  	[tilespmem:s6], [sflag:$0x1] =	stream.indirect.gather [hbm4b:s1+s6], $0x80, s3, s6, $0xb8;
	[tilespmem:$0x10200] =	vst v63  }
0x3c: {  	_ =	swait.ge [sflag:s7], $0x10000  }
0x3d: {  	[sflag:s7] =	ssyncset.done $0x0  }
0x3e: {  	[sflag:s7] =	ssyncadd.s32 $0xFFFF0000  }
0x3f: {  	[hbm4b:s8+s3] =	stream.linear.scatter [tilespmem:s6], [sflag:$0x2], $0x10000, $0x38;
	[tilespmem:$0x10200] =	vst v63  }
0x40: {  	_ =	swait.ge [sflag:s4], $0x10000  }
0x41: {  	[sflag:s4] =	ssyncset.done $0x0  }
0x42: {  	[sflag:s4] =	ssyncadd.s32 $0xFFFF0000  }
0x43: {  	[tilespmem:s3], [sflag:$0x2] =	stream.linear.gather [hbm4b:s9+s3], $0x200, $0x38;
	[tilespmem:$0x10200] =	vst v63  }
0x44: {  	_ =	swait.ge [sflag:s4], $0x200  }
0x45: {  	[sflag:s4] =	ssyncset.done $0x0  }
0x46: {  	[sflag:s4] =	ssyncadd.s32 $0xFFFFFE00  }
0x47: {  	[tilespmem:s6], [sflag:$0x1] =	stream.indirect.gather [hbm4b:s1+s6], $0x80, s3, s6, $0xb8;
	[tilespmem:$0x10200] =	vst v63  }
0x48: {  	_ =	swait.ge [sflag:s7], $0x10000  }
0x49: {  	[sflag:s7] =	ssyncset.done $0x0  }
0x4a: {  	[sflag:s7] =	ssyncadd.s32 $0xFFFF0000  }
0x4b: {  	[hbm4b:s10+s3] =	stream.linear.scatter [tilespmem:s6], [sflag:$0x2], $0x10000, $0x38;
	[tilespmem:$0x10200] =	vst v63  }
0x4c: {  	_ =	swait.ge [sflag:s4], $0x10000  }
0x4d: {  	[sflag:s4] =	ssyncset.done $0x0  }
0x4e: {  	[sflag:s4] =	ssyncadd.s32 $0xFFFF0000  }
0x4f: {  	[tilespmem:s3], [sflag:$0x2] =	stream.linear.gather [hbm4b:s11+s3], $0x200, $0x38;
	[tilespmem:$0x10200] =	vst v63  }
0x50: {  	_ =	swait.ge [sflag:s4], $0x200  }
0x51: {  	[sflag:s4] =	ssyncset.done $0x0  }
0x52: {  	[sflag:s4] =	ssyncadd.s32 $0xFFFFFE00  }
0x53: {  	[tilespmem:s6], [sflag:$0x1] =	stream.indirect.gather [hbm4b:s1+s6], $0x80, s3, s6, $0xb8;
	[tilespmem:$0x10200] =	vst v63  }
0x54: {  	_ =	swait.ge [sflag:s7], $0x10000  }
0x55: {  	[sflag:s7] =	ssyncset.done $0x0  }
0x56: {  	[sflag:s7] =	ssyncadd.s32 $0xFFFF0000  }
0x57: {  	[hbm4b:s12+s3] =	stream.linear.scatter [tilespmem:s6], [sflag:$0x2], $0x10000, $0x38;
	[tilespmem:$0x10200] =	vst v63  }
0x58: {  	_ =	swait.ge [sflag:s4], $0x10000  }
0x59: {  	[sflag:s4] =	ssyncset.done $0x0  }
0x5a: {  	[sflag:s4] =	ssyncadd.s32 $0xFFFF0000  }
0x5b: {  	[tilespmem:s3], [sflag:$0x2] =	stream.linear.gather [hbm4b:s13+s3], $0x200, $0x38;
	[tilespmem:$0x10200] =	vst v63  }
0x5c: {  	_ =	swait.ge [sflag:s4], $0x200  }
0x5d: {  	[sflag:s4] =	ssyncset.done $0x0  }
0x5e: {  	[sflag:s4] =	ssyncadd.s32 $0xFFFFFE00  }
0x5f: {  	[tilespmem:s6], [sflag:$0x1] =	stream.indirect.gather [hbm4b:s1+s6], $0x80, s3, s6, $0xb8;
	[tilespmem:$0x10200] =	vst v63  }
0x60: {  	_ =	swait.ge [sflag:s7], $0x10000  }
.Ltmp1:
0x61: {  	[sflag:s7] =	ssyncset.done $0x0;
	(pc) =	sbr.rel @p0 .LBB2_1-.Ltmp1, $4  }
0x62: {  	[sflag:s7] =	ssyncadd.s32 $0xFFFF0000  }
0x63: {  	[hbm4b:s14+s3] =	stream.linear.scatter [tilespmem:s6], [sflag:$0x2], $0x10000, $0x38;
	[tilespmem:$0x10200] =	vst v63  }
0x64: {  	_ =	swait.ge [sflag:s4], $0x10000  }
0x65: {  	[sflag:s4] =	ssyncset.done $0x0  }
.LBB2_2:
0x66: {  	[sflag:s4] =	ssyncadd.s32 $0xFFFF0000  }
0x67: {  	_ =	sfence.sel $0x180000  }
0x68: {  	[bflag:$0x0] =	sbarrier.arrive $0xFFFF  }
0x69: {  	p0 =	sne.s32 s0, $0x0;
	_ =	strace $0x90000047  }
0x6a: {  	s0 =	sadd.s32 @!p0 $0x100000, s2;
	[bflag:$0x2] =	sbarrier.arrive $0xFFFF  }
0x6b: {  	[sflag:s0] =	ssyncadd.tile.s32 @!p0 $0x1;
	_ =	shalt  }
.Lfunc_end2:
_tile_overlayer_lowered:
.L_overlay_start_2:
0x6c: {  	(tag) =	ssettag $0x2  }
0x6d: {  	s0 =	rddreg [dreg:$0x0];
	s2 =	stileid.u32  }
0x6e: {  	s1 =	rddreg [dreg:$0x1];
	p0 =	sne.s32 s2, $0x0  }
0x6f: {  	s3 =	rddreg [dreg:$0x2];
	[bflag:$0x3] =	sbarrier.arrive $0xFFFF;
	s2 =	simm.s32 @!p0 $0x1C02  }
0x70: {  	[timem:s3], [sflag:s2] =	dma.local @!p0 [hbm:s0], s1  }
0x71: {  	s0 =	simm.s32 @!p0 $0x2  }
0x72: {  	_ =	swait.ge @!p0 [sflag:s0], s1  }
0x73: {  	s1 =	ssub.s32 @!p0 $0x0, s1;
	[sflag:s0] =	ssyncset.done @!p0 $0x0  }
0x74: {  	[sflag:s0] =	ssyncadd.s32 @!p0 s1  }
0x75: {  	[bflag:$0x3] =	sbarrier.arrive $0xFFFF  }
0x76: {  	_ =	shalt  }

// kernel: kernel.9.cloned.1.call-start
scs
__scs_entry_jumppad:
0x0: {  	(pc) =	sbr.rel $0x88, $3  }
0x1: {  	(tag) =	ssettag $0x0;
	lr =	simm.s32 $0x1  }
0x2: {  	[smem:$0x3F98] =	sst lr;
	_ =	strace $0xD0000000  }
0x3: {  	_ = 	snop  }
0x4: {  	_ = 	snop  }
0x5: {  	_ = 	snop  }
0x6: {  	_ = 	snop  }
0x7: {  	_ = 	snop  }
__scs_overlays_trampoline_lowered:
0x8: {  	[smem:$0x3FA7] =	sst s0  }
0x9: {  	[smem:$0x3FA8] =	sst s1  }
0xa: {  	[smem:$0x3FA9] =	sst s2  }
0xb: {  	[smem:$0x3FAA] =	sst s3  }
0xc: {  	[smem:$0x3FAB] =	sst s4  }
0xd: {  	[smem:$0x3FAC] =	sst s5  }
0xe: {  	[smem:$0x3FAD] =	sst s6  }
0xf: {  	[smem:$0x3FAE] =	sst s7  }
0x10: {  	[smem:$0x3FAF] =	sst s8  }
0x11: {  	[smem:$0x3FB0] =	sst s9;
	s0 =	simm.s32 @!p0 $0x0  }
0x12: {  	s1 =	sld [smem:$0x3F96];
	s0 =	simm.s32 @p0 $0x1  }
0x13: {  	[smem:$0x3FB1] =	sst s0;
	s0 =	simm.s32 @!p1 $0x0  }
0x14: {  	s2 =	sld [smem:$0x3F95];
	s0 =	simm.s32 @p1 $0x1  }
0x15: {  	[smem:$0x3FB2] =	sst s0;
	s0 =	simm.s32 @!p2 $0x0  }
0x16: {  	s3 =	sld [smem:$0x3FDB];
	s0 =	simm.s32 @p2 $0x1  }
0x17: {  	s4 =	simm.s32 $0x1BF5;
	[smem:$0x3FB4] =	sst s0  }
0x18: {  	s0 =	sld [smem:$0x3F97];
	_ =	swait.ge [sflag:s4], $0x0  }
0x19: {  	s7 =	sld [smem:$0x3F98]  }
0x1a: {  	s8 =	sadd.s32 $0xFFFFE003, lr  }
0x1b: {  	s9 =	sadd.s32 $0xFFFFFEF7, lr;
	s5 =	simm.s32 $0xFFFFFFFF;
	p2 =	slt.u32 s8, $0xFFFFF086  }
0x1c: {  	p1 =	slt.u32 s9, $0xF7A;
	s5 =	simm.s32 @!p2 $0x0  }
0x1d: {  	s5 =	simm.s32 @p1 $0x1;
	p0 =	seq.s32 s7, s2  }
0x1e: {  	s7 =	smul.u32 @!p0 $0xF7A, s2;
	p2 =	seq.s32 @!p0 s5, $0x0  }
0x1f: {  	s9 =	smul.u32 $0xF7A, s1;
	s8 =	simm.s32 @!p0 $0x1BF5;
	p2 =	por !p2, p0  }
0x20: {  	[sflag:s8] =	ssyncset.s32 @!p0 $0xFFFFF086;
	s6 =	sadd.s32 @!p0 s3, s7;
	s7 =	simm.s32 @!p0 $0x108  }
0x21: {  	s3 =	sadd.s32 s3, s9;
	s6 =	sadd.s32 @!p0 $0x88, s6;
	s7 =	simm.s32 @p2 $0x1082  }
0x22: {  	[simem:s7], [sflag:s8] =	dma.local @!p0 [hbm:s6], $0xF7A  }
0x23: {  	s9 =	sor.u32 $0xD0000000, s2;
	s6 =	simm.s32 $0x108;
	_ =	swait.ge @!p0 [sflag:s8], $0x0  }
0x24: {  	s3 =	sadd.s32 $0x88, s3;
	s6 =	simm.s32 @!p1 $0x1082;
	[sflag:s4] =	ssyncset.s32 $0xFFFFF086  }
0x25: {  	[simem:s6], [sflag:s4] =	dma.local [hbm:s3], $0xF7A  }
0x26: {  	[smem:$0x3F98] =	sst s1;
	(tag) =	ssettag s2;
	_ =	strace s9  }
0x27: {  	s1 =	sld [smem:$0x3FA8]  }
0x28: {  	s2 =	sld [smem:$0x3FA9]  }
0x29: {  	s4 =	sld [smem:$0x3FAB]  }
0x2a: {  	p0 =	seq.s32 s5, $0x0;
	s5 =	sld [smem:$0x3FAC]  }
0x2b: {  	s6 =	sld [smem:$0x3FAD]  }
0x2c: {  	s7 =	sld [smem:$0x3FAE]  }
0x2d: {  	s3 =	simm.s32 $0x108;
	s8 =	sld [smem:$0x3FAF]  }
0x2e: {  	s3 =	simm.s32 @!p0 $0x1082;
	s9 =	sld [smem:$0x3FB0]  }
0x2f: {  	lr =	sadd.s32 s0, s3;
	s0 =	sld [smem:$0x3FA7]  }
0x30: {  	s3 =	sld [smem:$0x3FAA]  }
0x31: {  	[smem:$0x3FB3] =	sst s10  }
0x32: {  	s10 =	sld [smem:$0x3FB1];
	_ =	sdelay $0x3  }
0x33: {  	p0 =	seq.s32 s10, $0x1;
	s10 =	sld [smem:$0x3FB3];
	_ =	sdelay $0x3  }
0x34: {  	[smem:$0x3FB3] =	sst s10  }
0x35: {  	s10 =	sld [smem:$0x3FB2];
	_ =	sdelay $0x3  }
0x36: {  	p1 =	seq.s32 s10, $0x1;
	s10 =	sld [smem:$0x3FB3];
	_ =	sdelay $0x3  }
0x37: {  	[smem:$0x3FB3] =	sst s10  }
0x38: {  	s10 =	sld [smem:$0x3FB4]  }
0x39: {  	_ = 	snop;
	(pc) =	sbr.ind lr, $3  }
0x3a: {  	_ = 	snop  }
0x3b: {  	_ = 	snop  }
0x3c: {  	p2 =	seq.s32 s10, $0x1;
	s10 =	sld [smem:$0x3FB3]  }
0x3d: {  	_ =	shalt  }
0x3e: {  	_ =	shalt  }
0x3f: {  	_ =	shalt  }
0x40: {  	_ =	shalt  }
0x41: {  	_ =	shalt  }
0x42: {  	_ =	shalt  }
0x43: {  	_ =	shalt  }
0x44: {  	_ =	shalt  }
0x45: {  	_ =	shalt  }
0x46: {  	_ =	shalt  }
0x47: {  	_ =	shalt  }
0x48: {  	_ =	shalt  }
0x49: {  	_ =	shalt  }
0x4a: {  	_ =	shalt  }
0x4b: {  	_ =	shalt  }
0x4c: {  	_ =	shalt  }
0x4d: {  	_ =	shalt  }
0x4e: {  	_ =	shalt  }
0x4f: {  	_ =	shalt  }
0x50: {  	_ =	shalt  }
0x51: {  	_ =	shalt  }
0x52: {  	_ =	shalt  }
0x53: {  	_ =	shalt  }
0x54: {  	_ =	shalt  }
0x55: {  	_ =	shalt  }
0x56: {  	_ =	shalt  }
0x57: {  	_ =	shalt  }
0x58: {  	_ =	shalt  }
0x59: {  	_ =	shalt  }
0x5a: {  	_ =	shalt  }
0x5b: {  	_ =	shalt  }
0x5c: {  	_ =	shalt  }
0x5d: {  	_ =	shalt  }
0x5e: {  	_ =	shalt  }
0x5f: {  	_ =	shalt  }
0x60: {  	_ =	shalt  }
0x61: {  	_ =	shalt  }
0x62: {  	_ =	shalt  }
0x63: {  	_ =	shalt  }
0x64: {  	_ =	shalt  }
0x65: {  	_ =	shalt  }
0x66: {  	_ =	shalt  }
0x67: {  	_ =	shalt  }
0x68: {  	_ =	shalt  }
0x69: {  	_ =	shalt  }
0x6a: {  	_ =	shalt  }
0x6b: {  	_ =	shalt  }
0x6c: {  	_ =	shalt  }
0x6d: {  	_ =	shalt  }
0x6e: {  	_ =	shalt  }
0x6f: {  	_ =	shalt  }
0x70: {  	_ =	shalt  }
0x71: {  	_ =	shalt  }
0x72: {  	_ =	shalt  }
0x73: {  	_ =	shalt  }
0x74: {  	_ =	shalt  }
0x75: {  	_ =	shalt  }
0x76: {  	_ =	shalt  }
0x77: {  	_ =	shalt  }
0x78: {  	_ =	shalt  }
0x79: {  	_ =	shalt  }
0x7a: {  	_ =	shalt  }
0x7b: {  	_ =	shalt  }
0x7c: {  	_ =	shalt  }
0x7d: {  	_ =	shalt  }
0x7e: {  	_ =	shalt  }
0x7f: {  	_ =	shalt  }
0x80: {  	_ =	shalt  }
0x81: {  	_ =	shalt  }
0x82: {  	_ =	shalt  }
0x83: {  	_ =	shalt  }
0x84: {  	_ =	shalt  }
0x85: {  	_ =	shalt  }
0x86: {  	_ =	shalt  }
0x87: {  	_ =	shalt  }
.Lfunc_end0:
.L_simem_size_0:
called_computation.2_lowered:
.L_overlay_start_0:
0x88: {  	s2 =	sld [smem:$0x3FD9]  }
0x89: {  	s3 =	sld [smem:$0x3FFE];
	_ =	sdelay $0x1  }
0x8a: {  	s1 =	srdreg.scid  }
0x8b: {  	s0 =	sand.u32 $0x1, s1  }
0x8c: {  	s14 =	sshll.u32 s0, $0xA;
	s2 =	sadd.s32 s3, s2  }
0x8d: {  	s2 =	sadd.s32 s2, s14  }
0x8e: {  	[smem:$0x3FBF] =	sst s2  }
0x8f: {  	_ = 	snop  }
0x90: {  	s2 =	sld [smem:$0x3FD0];
	_ =	sdelay $0x2  }
0x91: {  	s4 =	simm.s32 $0xA;
	s5 =	simm.s32 $0x10;
	s15 =	sld [smem:$0x3FC9]  }
0x92: {  	[smem:s5], [sflag:s4] =	dma.local [hbm:s2], $0x1  }
0x93: {  	_ =	swait.eq [sflag:s4], $0x1  }
0x94: {  	[sflag:s4] =	ssyncset.done $0x0  }
0x95: {  	[sflag:s4] =	ssyncadd.s32 $0xFFFFFFFF  }
0x96: {  	s16 =	sld [smem:$0x10];
	(tm) =	ssettm $0x1  }
0x97: {  	s17 =	sld [smem:$0x3FFB];
	_ =	sdelay $0x3  }
0x98: {  	_ =	strace s17  }
0x99: {  	s4 =	sld [smem:$0x3FFC];
	_ =	sdelay $0x3  }
0x9a: {  	_ =	strace s4  }
0x9b: {  	s4 =	sld [smem:$0x3FFD];
	_ =	sdelay $0x3  }
0x9c: {  	_ =	strace s4  }
0x9d: {  	_ =	strace $0x8FFFFFFF  }
0x9e: {  	s18 =	sld [smem:$0x3FDB];
	_ =	sdelay $0x1  }
0x9f: {  	s19 =	simm.s32 $_scs_section_size  }
0xa0: {  	s6 =	simm.s32 $_size__tile_overlayer_lowered;
	s7 =	simm.s32 $_tile_overlayer_lowered  }
0xa1: {  	s22 =	simm.s32 $0x1BFF;
	s21 =	sshll.u32 s7, $0x1;
	s4 =	sadd.s32 s19, s18  }
0xa2: {  	s8 =	simm.s32 $0x0;
	s20 =	sshll.u32 s6, $0x1;
	s6 =	sadd.s32 s21, s4  }
0xa3: {  	[timem:s8], [sflag:s22] =	dma.local [hbm:s6], s20  }
0xa4: {  	_ =	swait.ge [sflag:s22], s20  }
0xa5: {  	s5 =	ssub.s32 $0x0, s20;
	[sflag:s22] =	ssyncset.done $0x0  }
0xa6: {  	[sflag:s22] =	ssyncadd.s32 s5;
	_ =	sdelay $0x1  }
0xa7: {  	s23 =	simm.s32 $0x1B8B  }
0xa8: {  	_ =	swait.ge [sflag:s23], $0x1  }
0xa9: {  	[sflag:s23] =	ssyncset.done $0x0  }
0xaa: {  	s25 =	simm.s32 $0x1B8E;
	s24 =	sld [smem:$0x3FFE];
	[sflag:s23] =	ssyncadd.s32 $0xFFFFFFFF  }
0xab: {  	s26 =	simm.s32 $execute0_lowered;
	[smem:$0x3FD2] =	sst s25  }
0xac: {  	s6 =	sshll.u32 s26, $0x1;
	_ =	strace $0x80000049;
	[dreg:$0x1] =	wrdreg $0xFFFFFFFF  }
0xad: {  	s28 =	simm.s32 $_size_execute0_lowered;
	s4 =	sadd.s32 s4, s6;
	[dreg:$0x0] =	wrdreg $0x0  }
0xae: {  	s6 =	sshll.u32 s28, $0x1;
	[dreg:$0x2] =	wrdreg s4  }
0xaf: {  	[dreg:$0x3] =	wrdreg s6  }
0xb0: {  	[dreg:$0x4] =	wrdreg $0xC0  }
0xb1: {  	_ =	task [dreg:s8], $0x5FFFF  }
0xb2: {  	[dreg:$0x1] =	wrdreg $0xFFFFFFFF  }
0xb3: {  	[dreg:$0x0] =	wrdreg $0x60  }
0xb4: {  	[dreg:$0x2] =	wrdreg s16  }
0xb5: {  	[dreg:$0x3] =	wrdreg s24  }
0xb6: {  	[dreg:$0x4] =	wrdreg s15  }
0xb7: {  	[dreg:$0x5] =	wrdreg $0xA8000  }
0xb8: {  	[dreg:$0x6] =	wrdreg $0x9  }
0xb9: {  	_ =	task.clear_ibuf [dreg:s8], $0x7FFFF;
	_ =	strace $0x90000049  }
0xba: {  	s29 =	simm.s32 $0x9;
	_ =	strace $0x8000004B  }
0xbb: {  	_ =	swait.ge [sflag:s29], $0x1  }
0xbc: {  	[sflag:s29] =	ssyncadd.s32 $0xFFFFFFFF  }
0xbd: {  	_ =	strace $0x9000004B  }
0xbe: {  	_ =	sfence  }
0xbf: {  	s30 =	sld [smem:$0x0];
	_ =	sdelay $0x2  }
0xc0: {  	s31 =	sshll.u32 s1, $0xD;
	s1 =	sshrl.u32 s1, $0x2  }
0xc1: {  	s3 =	sand.u32 $0x4000, s31;
	s1 =	sadd.s32 s1, s30  }
0xc2: {  	s0 =	sor.u32 s3, s0;
	s1 =	sshll.u32 s1, $0x11  }
0xc3: {  	s0 =	sor.u32 s1, s0  }
0xc4: {  	s0 =	sadd.s32 $0x8F2B, s0  }
0xc5: {  	[sflag:s0] =	ssyncadd.remote.s32 $0x1  }
0xc6: {  	_ =	sfence.sel $0xFFFF  }
0xc7: {  	[dreg:$0x0] =	wrdreg $0xFFFFFFFF;
	(pc) =	sbr.abs _section_cstart, $3  }
0xc8: {  	[dreg:$0x1] =	wrdreg $0xFFFFFFFF  }
0xc9: {  	_ =	task.clear_ibuf [dreg:s8], $0x2FFFF;
	_ =	strace $0x9FFFFFFF  }
0xca: {  	(tm) =	ssettm $0x7FFFFFFF  }
0xcb: {  	_ =	shalt  }
tec
execute0_lowered:
.L_overlay_start_1:
0x0: {  	(tag) =	ssettag $0x1  }
0x1: {  	s1 =	srdreg.scid  }
0x2: {  	s1 =	sand.u32 $0x1, s1  }
0x3: {  	s5 =	rddreg [dreg:$0x0];
	p0 =	seq.s32 s1, $0x1  }
.Ltmp0:
0x4: {  	s3 =	rddreg [dreg:$0x1];
	(pc) =	sbr.rel @p0 .LBB2_12-.Ltmp0, $4  }
0x5: {  	s2 =	rddreg [dreg:$0x2]  }
0x6: {  	s4 =	rddreg [dreg:$0x3];
	s7 =	simm.s32 $0x0  }
0x7: {  	[smem:$0x7FF] =	sst s7  }
0x8: {  	s0 =	rddreg [dreg:$0x4];
	_ =	strace $0x8000004A;
	s1 =	stileid.u32  }
0x9: {  	s6 =	sshll.u32 s1, $0x8  }
0xa: {  	s8 =	simm.s32 $0x800;
	s24 =	simm.s32 $0x1;
	s5 =	sadd.s32 s5, s6  }
0xb: {  	[tilespmem:s8], [sflag:$0x1] =	stream.linear.gather [hbm4b:s5+s7], $0x800, $0x38;
	[tilespmem:$0xE800] =	vst v63  }
0xc: {  	_ =	swait.ge [sflag:s24], $0x800  }
0xd: {  	s25 =	sadd.s32 $0x1600, s3;
	[sflag:s24] =	ssyncset.done $0x0  }
0xe: {  	s5 =	sadd.s32 s25, s6;
	[sflag:s24] =	ssyncadd.s32 $0xFFFFF800  }
0xf: {  	[tilespmem:s7], [sflag:$0x1] =	stream.linear.gather [hbm4b:s5+s7], $0x800, $0x38;
	[tilespmem:$0xE800] =	vst v63  }
0x10: {  	s26 =	sshll.u32 s1, $0xE;
	s28 =	sshll.u32 s1, $0x7;
	_ =	swait.ge [sflag:s24], $0x800  }
0x11: {  	s29 =	simm.s32 $0x5000;
	s31 =	sshll.u32 s1, $0xD;
	[sflag:s24] =	ssyncset.done $0x0  }
0x12: {  	s9 =	sadd.s32 s6, s3;
	s3 =	sand.u32 $0x20000, s26;
	[sflag:s24] =	ssyncadd.s32 $0xFFFFF800  }
0x13: {  	[tilespmem:s29], [sflag:$0x1] =	stream.linear.gather [hbm4b:s2+s7], $0x4000, $0x38;
	[tilespmem:$0xE800] =	vst v63  }
0x14: {  	s30 =	sadd.s32 s3, s4;
	s5 =	sand.u32 $0x380, s28;
	_ =	swait.ge [sflag:s24], $0x4000  }
0x15: {  	s3 =	sadd.s32 $0x2600, s9;
	s6 =	sadd.s32 s5, s30;
	[sflag:s24] =	ssyncset.done $0x0  }
0x16: {  	v0 =	vimm.f32 $-Inf;
	s5 =	sadd.s32 s31, s4;
	s2 =	sadd.s32 $0x3600, s9;
	[sflag:s24] =	ssyncadd.s32 $0xFFFFC000  }
.LBB2_2:
0x17: {  	p0 =	sne.s32 s7, $0xFFC0  }
.Ltmp1:
0x18: {  	_ = 	snop;
	(pc) =	sbr.rel @p0 .LBB2_2-.Ltmp1, $3  }
0x19: {  	_ =	sdelay $0x1  }
0x1a: {  	s8 =	sshra.s32 s7, $0x2  }
0x1b: {  	s7 =	sadd.s32 $0x40, s7;
	[tilespmem:s8+$0x1000] =	vst v0  }
0x1c: {  	s7 =	simm.s32 $0x0;
	s8 =	simm.s32 $0x1000  }
.LBB2_4:
0x1d: {  	s9 =	sshra.s32 s7, $0x2  }
0x1e: {  	v0 =	vld [tilespmem:s9+$0x0];
	_ =	sdelay $0x6  }
0x1f: {  	v1 =	vld [tilespmem:s9+$0x800]  }
0x20: {  	v2 =	vld.idx.msk [tilespmem:v0+s8+$0x0], $0xffff;
	_ =	sdelay $0x4  }
0x21: {  	vm0 =	vgt.f32 v1, v2;
	_ =	sdelay $0x4  }
0x22: {  	v2 =	vmax.f32 v2, v1  }
0x23: {  	[tilespmem:v0+s8+$0x0] =	vst.idx.msk vm0, v2  }
0x24: {  	v2 =	vld.idx.msk [tilespmem:v0+s8+$0x0], $0xffff;
	_ =	sdelay $0x4  }
0x25: {  	vm13 =	vgt.f32 v1, v2;
	_ =	sdelay $0x4  }
0x26: {  	v2 =	vmax.f32 v2, v1  }
0x27: {  	[tilespmem:v0+s8+$0x0] =	vst.idx.msk vm13, v2  }
0x28: {  	v2 =	vld.idx.msk [tilespmem:v0+s8+$0x0], $0xffff;
	_ =	sdelay $0x4  }
0x29: {  	vm14 =	vgt.f32 v1, v2;
	_ =	sdelay $0x4  }
0x2a: {  	v2 =	vmax.f32 v2, v1  }
0x2b: {  	[tilespmem:v0+s8+$0x0] =	vst.idx.msk vm14, v2  }
0x2c: {  	v2 =	vld.idx.msk [tilespmem:v0+s8+$0x0], $0xffff;
	_ =	sdelay $0x4  }
0x2d: {  	vm15 =	vgt.f32 v1, v2;
	_ =	sdelay $0x4  }
0x2e: {  	v2 =	vmax.f32 v2, v1  }
0x2f: {  	[tilespmem:v0+s8+$0x0] =	vst.idx.msk vm15, v2  }
0x30: {  	v2 =	vld.idx.msk [tilespmem:v0+s8+$0x0], $0xffff;
	_ =	sdelay $0x4  }
0x31: {  	vm4 =	vgt.f32 v1, v2;
	_ =	sdelay $0x4  }
0x32: {  	v2 =	vmax.f32 v2, v1  }
0x33: {  	[tilespmem:v0+s8+$0x0] =	vst.idx.msk vm4, v2  }
0x34: {  	v2 =	vld.idx.msk [tilespmem:v0+s8+$0x0], $0xffff;
	_ =	sdelay $0x4  }
0x35: {  	vm5 =	vgt.f32 v1, v2;
	_ =	sdelay $0x4  }
0x36: {  	v2 =	vmax.f32 v2, v1  }
0x37: {  	[tilespmem:v0+s8+$0x0] =	vst.idx.msk vm5, v2  }
0x38: {  	v2 =	vld.idx.msk [tilespmem:v0+s8+$0x0], $0xffff;
	_ =	sdelay $0x4  }
0x39: {  	vm6 =	vgt.f32 v1, v2;
	_ =	sdelay $0x4  }
0x3a: {  	v2 =	vmax.f32 v2, v1  }
0x3b: {  	[tilespmem:v0+s8+$0x0] =	vst.idx.msk vm6, v2  }
0x3c: {  	v2 =	vld.idx.msk [tilespmem:v0+s8+$0x0], $0xffff;
	_ =	sdelay $0x4  }
0x3d: {  	vm7 =	vgt.f32 v1, v2;
	_ =	sdelay $0x4  }
0x3e: {  	v2 =	vmax.f32 v2, v1  }
0x3f: {  	[tilespmem:v0+s8+$0x0] =	vst.idx.msk vm7, v2  }
0x40: {  	v2 =	vld.idx.msk [tilespmem:v0+s8+$0x0], $0xffff;
	_ =	sdelay $0x4  }
0x41: {  	vm8 =	vgt.f32 v1, v2;
	_ =	sdelay $0x4  }
0x42: {  	v2 =	vmax.f32 v2, v1  }
0x43: {  	[tilespmem:v0+s8+$0x0] =	vst.idx.msk vm8, v2  }
0x44: {  	v2 =	vld.idx.msk [tilespmem:v0+s8+$0x0], $0xffff;
	_ =	sdelay $0x4  }
0x45: {  	vm9 =	vgt.f32 v1, v2;
	_ =	sdelay $0x4  }
0x46: {  	v2 =	vmax.f32 v2, v1  }
0x47: {  	[tilespmem:v0+s8+$0x0] =	vst.idx.msk vm9, v2  }
0x48: {  	v2 =	vld.idx.msk [tilespmem:v0+s8+$0x0], $0xffff;
	_ =	sdelay $0x4  }
0x49: {  	vm10 =	vgt.f32 v1, v2;
	_ =	sdelay $0x4  }
0x4a: {  	v2 =	vmax.f32 v2, v1  }
0x4b: {  	[tilespmem:v0+s8+$0x0] =	vst.idx.msk vm10, v2  }
0x4c: {  	v2 =	vld.idx.msk [tilespmem:v0+s8+$0x0], $0xffff;
	_ =	sdelay $0x4  }
0x4d: {  	vm11 =	vgt.f32 v1, v2;
	_ =	sdelay $0x4  }
0x4e: {  	v2 =	vmax.f32 v2, v1  }
0x4f: {  	[tilespmem:v0+s8+$0x0] =	vst.idx.msk vm11, v2  }
0x50: {  	v2 =	vld.idx.msk [tilespmem:v0+s8+$0x0], $0xffff;
	_ =	sdelay $0x4  }
0x51: {  	vm12 =	vgt.f32 v1, v2;
	_ =	sdelay $0x4  }
0x52: {  	v2 =	vmax.f32 v2, v1  }
0x53: {  	[tilespmem:v0+s8+$0x0] =	vst.idx.msk vm12, v2  }
0x54: {  	v2 =	vld.idx.msk [tilespmem:v0+s8+$0x0], $0xffff;
	_ =	sdelay $0x4  }
0x55: {  	vm13 =	vgt.f32 v1, v2;
	_ =	sdelay $0x4  }
0x56: {  	v2 =	vmax.f32 v2, v1  }
0x57: {  	[tilespmem:v0+s8+$0x0] =	vst.idx.msk vm13, v2  }
0x58: {  	v2 =	vld.idx.msk [tilespmem:v0+s8+$0x0], $0xffff;
	_ =	sdelay $0x4  }
0x59: {  	vm14 =	vgt.f32 v1, v2;
	_ =	sdelay $0x4  }
0x5a: {  	v2 =	vmax.f32 v2, v1  }
0x5b: {  	[tilespmem:v0+s8+$0x0] =	vst.idx.msk vm14, v2  }
0x5c: {  	v2 =	vld.idx.msk [tilespmem:v0+s8+$0x0], $0xffff;
	_ =	sdelay $0x4  }
0x5d: {  	vm15 =	vgt.f32 v1, v2  }
0x5e: {  	p0 =	sne.s32 s7, $0x1FC0  }
.Ltmp2:
0x5f: {  	_ = 	snop;
	(pc) =	sbr.rel @p0 .LBB2_4-.Ltmp2, $3  }
0x60: {  	_ =	sdelay $0x1  }
0x61: {  	v1 =	vmax.f32 v2, v1  }
0x62: {  	s7 =	sadd.s32 $0x40, s7;
	[tilespmem:v0+s8+$0x0] =	vst.idx.msk vm15, v1  }
0x63: {  	s7 =	simm.s32 $0x80;
	s8 =	simm.s32 $0x400;
	s9 =	simm.s32 $0x1000  }
0x64: {  	[spmem:s6] =	stream.strided.scatter [tilespmem:s9], [sflag:$0x1], $0x4000, s8, s7, $0x38;
	[tilespmem:$0xE800] =	vst v63  }
0x65: {  	s6 =	simm.s32 $0x1  }
0x66: {  	_ =	swait.ge [sflag:s6], $0x4000  }
0x67: {  	[sflag:s6] =	ssyncset.done $0x0  }
0x68: {  	[sflag:s6] =	ssyncadd.s32 $0xFFFFC000  }
0x69: {  	s31 =	simm.s32 $0xA000;
	[bflag:$0x0] =	sbarrier.arrive $0xFFFF  }
0x6a: {  	[tilespmem:s31], [sflag:$0x1] =	stream.strided.gather [spmem:s5], $0x400, s8, s7, $0x38;
	[tilespmem:$0xE800] =	vst v63  }
0x6b: {  	_ =	swait.ge [sflag:s6], $0x400  }
0x6c: {  	[sflag:s6] =	ssyncset.done $0x0  }
0x6d: {  	s10 =	simm.s32 $0x1;
	s9 =	simm.s32 $0xA400;
	[sflag:s6] =	ssyncadd.s32 $0xFFFFFC00  }
.LBB2_6:
0x6e: {  	s11 =	sshll.u32 s10, $0xE  }
0x6f: {  	s12 =	sshll.u32 s10, $0x7;
	s11 =	sand.u32 $0x20000, s11  }
0x70: {  	s12 =	sand.u32 $0x380, s12;
	s11 =	sadd.s32 s11, s5  }
0x71: {  	s11 =	sadd.s32 s12, s11  }
0x72: {  	[tilespmem:s9], [sflag:$0x1] =	stream.strided.gather [spmem:s11], $0x400, s8, s7, $0x38;
	[tilespmem:$0xE800] =	vst v63  }
0x73: {  	_ =	swait.ge [sflag:s6], $0x400  }
0x74: {  	[sflag:s6] =	ssyncset.done $0x0  }
0x75: {  	s11 =	simm.s32 $0x0;
	[sflag:s6] =	ssyncadd.s32 $0xFFFFFC00  }
0x76: {  	s12 =	simm.s32 $0x40;
	v0 =	vld [tilespmem:s11+$0xA400]  }
.LBB2_7:
0x77: {  	p0 =	sne.s32 s12, $0xFC0;
	v1 =	vld [tilespmem:s11+$0xA000];
	_ =	sdelay $0x1  }
.Ltmp3:
0x78: {  	(pc) =	sbr.rel @p0 .LBB2_7-.Ltmp3, $3  }
0x79: {  	_ =	sdelay $0x1  }
0x7a: {  	s13 =	sshra.s32 s12, $0x2;
	v1 =	vmax.f32 v1, v0  }
0x7b: {  	s12 =	sadd.s32 $0x40, s12;
	v0 =	vld [tilespmem:s13+$0xA400];
	[tilespmem:s11+$0xA000] =	vst v1;
	s11 =	smov.u32 s13  }
0x7c: {  	v1 =	vld [tilespmem:s11+$0xA000];
	s10 =	sadd.s32 $0x1, s10  }
0x7d: {  	p0 =	sne.s32 s10, $0x10  }
.Ltmp4:
0x7e: {  	_ = 	snop;
	(pc) =	sbr.rel @p0 .LBB2_6-.Ltmp4, $3  }
0x7f: {  	_ =	sdelay $0x1  }
0x80: {  	v0 =	vmax.f32 v1, v0  }
0x81: {  	[tilespmem:s11+$0xA000] =	vst v0  }
0x82: {  	s6 =	simm.s32 $0x80  }
0x83: {  	s7 =	simm.s32 $0x400;
	s8 =	simm.s32 $0xA000;
	s31 =	simm.s32 $0x1  }
0x84: {  	[spmem:s5] =	stream.strided.scatter [tilespmem:s8], [sflag:$0x1], $0x400, s7, s6, $0x38;
	[tilespmem:$0xE800] =	vst v63  }
0x85: {  	_ =	swait.ge [sflag:s31], $0x400  }
0x86: {  	[sflag:s31] =	ssyncset.done $0x0  }
0x87: {  	[sflag:s31] =	ssyncadd.s32 $0xFFFFFC00  }
0x88: {  	s5 =	simm.s32 $0x1000;
	[bflag:$0x0] =	sbarrier.arrive $0xFFFF  }
0x89: {  	[tilespmem:s5], [sflag:$0x1] =	stream.strided.gather [spmem:s4], $0x4000, s7, s6, $0x38;
	[tilespmem:$0xE800] =	vst v63  }
0x8a: {  	_ =	swait.ge [sflag:s31], $0x4000  }
0x8b: {  	[sflag:s31] =	ssyncset.done $0x0  }
0x8c: {  	s6 =	simm.s32 $0x0;
	[sflag:s31] =	ssyncadd.s32 $0xFFFFC000  }
0x8d: {  	v0 =	vld [tilespmem:s6+$0x0];
	_ =	sdelay $0x7  }
0x8e: {  	v1 =	vld.idx.msk [tilespmem:v0+s5+$0x0], $0xffff;
	_ =	sdelay $0x3  }
0x8f: {  	s8 =	simm.s32 $0x80;
	s4 =	simm.s32 $0x5000;
	s7 =	simm.s32 $0x10  }
.LBB2_10:
0x90: {  	p0 =	sne.s32 s8, $0x1FC0;
	v2 =	vld [tilespmem:s7+$0x0];
	[tilespmem:s6+$0x9000] =	vst v1  }
0x91: {  	v1 =	vld.idx.msk [tilespmem:v0+s4+$0x0], $0xffff;
	_ =	sdelay $0x3  }
0x92: {  	v0 =	vmov v2;
	_ =	sdelay $0x1  }
0x93: {  	[tilespmem:s6+$0x9800] =	vst v1;
	s6 =	smov.u32 s7  }
0x94: {  	v1 =	vld.idx.msk [tilespmem:v2+s5+$0x0], $0xffff  }
.Ltmp5:
0x95: {  	(pc) =	sbr.rel @p0 .LBB2_10-.Ltmp5, $2  }
0x96: {  	_ =	sdelay $0x2  }
0x97: {  	s7 =	sshra.s32 s8, $0x2;
	s8 =	sadd.s32 $0x40, s8  }
0x98: {  	_ =	sdelay $0x1  }
0x99: {  	v2 =	vld [tilespmem:s7+$0x0]  }
0x9a: {  	[tilespmem:s6+$0x9000] =	vst v1  }
0x9b: {  	v0 =	vld.idx.msk [tilespmem:v0+s4+$0x0], $0xffff;
	_ =	sdelay $0x4  }
0x9c: {  	[tilespmem:s6+$0x9800] =	vst v0  }
0x9d: {  	v0 =	vld.idx.msk [tilespmem:v2+s5+$0x0], $0xffff;
	_ =	sdelay $0x4  }
0x9e: {  	[tilespmem:s7+$0x9000] =	vst v0  }
0x9f: {  	v0 =	vld.idx.msk [tilespmem:v2+s4+$0x0], $0xffff;
	_ =	sdelay $0x4  }
0xa0: {  	s28 =	simm.s32 $0x0;
	s29 =	simm.s32 $0x9000;
	s30 =	simm.s32 $0x1;
	[tilespmem:s7+$0x9800] =	vst v0  }
0xa1: {  	[hbm4b:s3+s28] =	stream.linear.scatter [tilespmem:s29], [sflag:$0x1], $0x800, $0x38;
	[tilespmem:$0xE800] =	vst v63  }
0xa2: {  	_ =	swait.ge [sflag:s30], $0x800  }
0xa3: {  	[sflag:s30] =	ssyncset.done $0x0  }
0xa4: {  	s31 =	simm.s32 $0x9800;
	[sflag:s30] =	ssyncadd.s32 $0xFFFFF800  }
0xa5: {  	[hbm4b:s2+s28] =	stream.linear.scatter [tilespmem:s31], [sflag:$0x1], $0x800, $0x38;
	[tilespmem:$0xE800] =	vst v63  }
0xa6: {  	_ =	swait.ge [sflag:s30], $0x800  }
0xa7: {  	[sflag:s30] =	ssyncset.done $0x0  }
0xa8: {  	[sflag:s30] =	ssyncadd.s32 $0xFFFFF800  }
.LBB2_12:
0xa9: {  	_ =	sfence.sel $0x180000  }
0xaa: {  	[bflag:$0x0] =	sbarrier.arrive $0xFFFF  }
0xab: {  	p0 =	sne.s32 s1, $0x0;
	_ =	strace $0x9000004A  }
0xac: {  	s0 =	sadd.s32 @!p0 $0x100000, s0;
	[bflag:$0x2] =	sbarrier.arrive $0xFFFF  }
0xad: {  	[sflag:s0] =	ssyncadd.tile.s32 @!p0 $0x1;
	_ =	shalt  }
.Lfunc_end2:
_tile_overlayer_lowered:
.L_overlay_start_2:
0xae: {  	(tag) =	ssettag $0x2  }
0xaf: {  	s0 =	rddreg [dreg:$0x0];
	s2 =	stileid.u32  }
0xb0: {  	s1 =	rddreg [dreg:$0x1];
	p0 =	sne.s32 s2, $0x0  }
0xb1: {  	s3 =	rddreg [dreg:$0x2];
	[bflag:$0x3] =	sbarrier.arrive $0xFFFF;
	s2 =	simm.s32 @!p0 $0x1C01  }
0xb2: {  	[timem:s3], [sflag:s2] =	dma.local @!p0 [hbm:s0], s1  }
0xb3: {  	s0 =	simm.s32 @!p0 $0x1  }
0xb4: {  	_ =	swait.ge @!p0 [sflag:s0], s1  }
0xb5: {  	s1 =	ssub.s32 @!p0 $0x0, s1;
	[sflag:s0] =	ssyncset.done @!p0 $0x0  }
0xb6: {  	[sflag:s0] =	ssyncadd.s32 @!p0 s1  }
0xb7: {  	[bflag:$0x3] =	sbarrier.arrive $0xFFFF  }
0xb8: {  	_ =	shalt  }

</sc_bundles>
